<compile_context>
chip_gen: v7x
topology: tpu7x:2x2x1
jax: 0.10.2.dev20260603
libtpu: 0.0.44.dev20260713+nightly
codegen_flags: <defaults>
</compile_context>

<pallas_src>
import jax
import jax.numpy as jnp
from jax import lax
from jax.experimental import pallas as pl
from jax.experimental.pallas import tpu as pltpu
from jax.experimental.pallas import tpu_sc as plsc

_B, _C, _D = 1024, 32, 64
_NW = 32
_BPW = _B // _NW


def _sc_reduce_body(x_hbm, o_hbm, rows_v, out_v):
    wid = lax.axis_index("s") * 2 + lax.axis_index("c")
    base = wid * _BPW
    pltpu.sync_copy(x_hbm.at[pl.ds(base, _BPW)], rows_v)

    def per_graph(g, carry):
        for l in range(_D // 16):
            acc = rows_v[g, pl.ds(l * 16, 16)]
            for c in range(1, _C):
                acc = acc + rows_v[g, pl.ds(c * _D + l * 16, 16)]
            out_v[g, pl.ds(l * 16, 16)] = acc * (1.0 / _C)
        return carry

    lax.fori_loop(0, _BPW, per_graph, 0)
    pltpu.sync_copy(out_v, o_hbm.at[pl.ds(base, _BPW)])


def _channel_means(flat):
    mesh = plsc.VectorSubcoreMesh(core_axis_name="c", subcore_axis_name="s")
    return pl.kernel(
        _sc_reduce_body,
        out_type=jax.ShapeDtypeStruct((_B, _D), jnp.float32),
        mesh=mesh,
        scratch_types=[
            pltpu.VMEM((_BPW, _C * _D), jnp.float32),
            pltpu.VMEM((_BPW, _D), jnp.float32),
        ],
    )(flat)


def _mlp_body(m_ref, w1_ref, b1_ref, w2_ref, b2_ref, w3_ref, b3_ref,
              wr_ref, br_ref, o_ref):
    m = m_ref[...]
    h = jnp.maximum(
        jnp.dot(m, w1_ref[...], preferred_element_type=jnp.float32)
        + b1_ref[...], 0.0)
    h = jnp.maximum(
        jnp.dot(h, w2_ref[...], preferred_element_type=jnp.float32)
        + b2_ref[...], 0.0)
    h = jnp.maximum(
        jnp.dot(h, w3_ref[...], preferred_element_type=jnp.float32)
        + b3_ref[...], 0.0)
    o_ref[...] = (
        jnp.dot(h, wr_ref[...], preferred_element_type=jnp.float32)
        + br_ref[...])


def kernel(embeddings, W1, b1, W2, b2, W3, b3, Wr, br):
    B, C, D = embeddings.shape
    flat = embeddings.reshape(B, C * D)
    m = _channel_means(flat)
    return pl.pallas_call(
        _mlp_body,
        out_shape=jax.ShapeDtypeStruct((B, D), jnp.float32),
    )(m, W1, b1, W2, b2, W3, b3, Wr, br)

# --- scband reference (transcript-rebuilt; emitter-appended) ---
"""Pipeline reference for scband-mpnn-conv-24850680775472 (READ-ONLY COPY).

The authoritative reference and input builder live on the scoring server;
editing this copy changes nothing except your own understanding.
"""

import jax, jax.numpy as jnp
import numpy as np

B, C, D, H = 1024, 32, 64, 64

def _glorot(k, shape):
    lim = (6.0 / (shape[0] + shape[1])) ** 0.5
    return jax.random.uniform(k, shape, minval=-lim, maxval=lim, dtype=jnp.float32)

def setup_inputs(seed: int = 0) -> dict:
    key = jax.random.key(seed)
    ks = jax.random.split(key, 8)
    inp = {}
    inp['embeddings'] = jax.random.normal(ks[0], (B, C, D), dtype=jnp.float32)
    inp['W1'] = _glorot(ks[1], (D, H)); inp['b1'] = jnp.zeros((H,), jnp.float32)
    inp['W2'] = _glorot(ks[2], (H, H)); inp['b2'] = jnp.zeros((H,), jnp.float32)
    inp['W3'] = _glorot(ks[3], (H, H)); inp['b3'] = jnp.zeros((H,), jnp.float32)
    inp['Wr'] = _glorot(ks[4], (H, D)); inp['br'] = jnp.zeros((D,), jnp.float32)
    return inp

def _edge_index(num_channels):
    # torch.combinations(arange(C), r=2).T then cat with flipped -> both directions, no self loops
    r, c = np.triu_indices(num_channels, k=1)
    src = jnp.asarray(np.concatenate([r, c]), dtype=jnp.int32)
    dst = jnp.asarray(np.concatenate([c, r]), dtype=jnp.int32)
    return src, dst

def _gcn_conv(x, src, dst, W, b):
    # Faithful PyG GCNConv: add self-loops, symmetric deg^{-1/2} normalization,
    # message = norm * (x W) gathered at src, scatter-add at dst, plus bias.
    N = x.shape[0]
    loop = jnp.arange(N, dtype=src.dtype)
    s = jnp.concatenate([src, loop])
    d = jnp.concatenate([dst, loop])
    deg = jnp.zeros((N,), x.dtype).at[d].add(1.0)
    dinv = jnp.where(deg > 0, deg ** -0.5, 0.0)
    norm = dinv[s] * dinv[d]
    xw = x @ W
    msg = xw[s] * norm[:, None]
    out = jnp.zeros((N, W.shape[1]), x.dtype).at[d].add(msg)
    return out + b

def reference(embeddings, W1, b1, W2, b2, W3, b3, Wr, br):
    num_channels = embeddings.shape[1]
    src, dst = _edge_index(num_channels)
    layers = ((W1, b1), (W2, b2), (W3, b3))
    def per_graph(x):
        for (W, b) in layers:
            x = jax.nn.relu(_gcn_conv(x, src, dst, W, b))
        return x.mean(axis=0)
    pooled = jax.vmap(per_graph)(embeddings)
    return pooled @ Wr + br

if __name__ == "__main__":
    import jax
    _d = setup_inputs()
    print(jax.jit(kernel)(*tuple(_d.values())))

</pallas_src>

<mosaic_0001>
#map = affine_map<(d0, d1) -> (0, 0)>
module attributes {stable_mosaic.version = 14 : i64} {
  func.func @_sc_reduce_body(%arg0: i32, %arg1: i32, %arg2: memref<1024x2048xf32, #tpu.memory_space<hbm>>, %arg3: memref<1024x64xf32, #tpu.memory_space<hbm>>, %arg4: memref<32x2048xf32, #tpu.memory_space<vmem>>, %arg5: memref<32x64xf32, #tpu.memory_space<vmem>>) attributes {dimension_semantics = [#tpu.dimension_semantics<core_parallel>, #tpu.dimension_semantics<subcore_parallel>], iteration_bounds = array<i64: 2, 16>, scalar_prefetch = 0 : i64, scratch_operands = 2 : i64, tpu.core_type = #tpu.core_type<sc_vector_subcore>, window_params = [{transform_indices = #map}, {transform_indices = #map}]} {
    %mul3A = arith.constant 2 : i32
    %mul3A_0 = arith.muli %arg1, %mul3A : i32
    %add3A = arith.addi %mul3A_0, %arg0 : i32
    %mul3A_1 = arith.constant 32 : i32
    %mul3A_2 = arith.muli %add3A, %mul3A_1 : i32
    "tpu.region"() ({
      %run_scoped3A = tpu.sem_alloc : memref<!tpu.dma_semaphore, #tpu.memory_space<semaphore_mem>>
      %dma_start3A = arith.constant 0 : i32
      %dma_start3A_8 = tpu.memref_slice %arg2[%mul3A_2, %dma_start3A] : memref<1024x2048xf32, #tpu.memory_space<hbm>> -> memref<32x2048xf32, #tpu.memory_space<hbm>>
      %dma_start3A_9 = arith.constant 0 : i32
      %dma_start3A_10 = tpu.memref_slice %arg2[%mul3A_2, %dma_start3A_9] : memref<1024x2048xf32, #tpu.memory_space<hbm>> -> memref<32x2048xf32, #tpu.memory_space<hbm>>
      tpu.enqueue_dma source(%dma_start3A_10 : memref<32x2048xf32, #tpu.memory_space<hbm>>) target(%arg4 : memref<32x2048xf32, #tpu.memory_space<vmem>>) target_semaphore(%run_scoped3A : memref<!tpu.dma_semaphore, #tpu.memory_space<semaphore_mem>>)
      %dma_wait3A = arith.constant 0 : i32
      %dma_wait3A_11 = tpu.memref_slice %arg2[%mul3A_2, %dma_wait3A] : memref<1024x2048xf32, #tpu.memory_space<hbm>> -> memref<32x2048xf32, #tpu.memory_space<hbm>>
      %dma_wait3A_12 = arith.constant 0 : i32
      %dma_wait3A_13 = tpu.memref_slice %arg2[%mul3A_2, %dma_wait3A_12] : memref<1024x2048xf32, #tpu.memory_space<hbm>> -> memref<32x2048xf32, #tpu.memory_space<hbm>>
      tpu.wait_dma2 semaphore(%run_scoped3A : memref<!tpu.dma_semaphore, #tpu.memory_space<semaphore_mem>>) src(%dma_wait3A_13 : memref<32x2048xf32, #tpu.memory_space<hbm>>) dst(%arg4 : memref<32x2048xf32, #tpu.memory_space<vmem>>)
      tpu.yield
    }) : () -> ()
    %scan3A = arith.constant 0 : i32
    %scan3A_3 = arith.constant 0 : i32
    %scan3A_4 = arith.constant 32 : i32
    %scan3A_5 = arith.addi %scan3A_3, %scan3A_4 : i32
    %scan3A_6 = arith.constant 1 : i32
    scf.for %scan3A_8 = %scan3A_3 to %scan3A_5 step %scan3A_6  : i32 {
      %get3A = arith.index_cast %scan3A_8 : i32 to index
      %get3A_9 = arith.constant 0 : index
      %get3A_10 = tpu.vector_load %arg4[%get3A, %get3A_9] {strides = array<i32>} : memref<32x2048xf32, #tpu.memory_space<vmem>>, vector<1x16xf32>,
      %get3A_11 = vector.shape_cast %get3A_10 : vector<1x16xf32> to vector<16xf32>
      %get3A_12 = arith.index_cast %scan3A_8 : i32 to index
      %get3A_13 = arith.constant 64 : index
      %get3A_14 = tpu.vector_load %arg4[%get3A_12, %get3A_13] {strides = array<i32>} : memref<32x2048xf32, #tpu.memory_space<vmem>>, vector<1x16xf32>,
      %get3A_15 = vector.shape_cast %get3A_14 : vector<1x16xf32> to vector<16xf32>
      %add3A_16 = arith.addf %get3A_11, %get3A_15 : vector<16xf32>
      %get3A_17 = arith.index_cast %scan3A_8 : i32 to index
      %get3A_18 = arith.constant 128 : index
      %get3A_19 = tpu.vector_load %arg4[%get3A_17, %get3A_18] {strides = array<i32>} : memref<32x2048xf32, #tpu.memory_space<vmem>>, vector<1x16xf32>,
      %get3A_20 = vector.shape_cast %get3A_19 : vector<1x16xf32> to vector<16xf32>
      %add3A_21 = arith.addf %add3A_16, %get3A_20 : vector<16xf32>
      %get3A_22 = arith.index_cast %scan3A_8 : i32 to index
      %get3A_23 = arith.constant 192 : index
      %get3A_24 = tpu.vector_load %arg4[%get3A_22, %get3A_23] {strides = array<i32>} : memref<32x2048xf32, #tpu.memory_space<vmem>>, vector<1x16xf32>,
      %get3A_25 = vector.shape_cast %get3A_24 : vector<1x16xf32> to vector<16xf32>
      %add3A_26 = arith.addf %add3A_21, %get3A_25 : vector<16xf32>
      %get3A_27 = arith.index_cast %scan3A_8 : i32 to index
      %get3A_28 = arith.constant 256 : index
      %get3A_29 = tpu.vector_load %arg4[%get3A_27, %get3A_28] {strides = array<i32>} : memref<32x2048xf32, #tpu.memory_space<vmem>>, vector<1x16xf32>,
      %get3A_30 = vector.shape_cast %get3A_29 : vector<1x16xf32> to vector<16xf32>
      %add3A_31 = arith.addf %add3A_26, %get3A_30 : vector<16xf32>
      %get3A_32 = arith.index_cast %scan3A_8 : i32 to index
      %get3A_33 = arith.constant 320 : index
      %get3A_34 = tpu.vector_load %arg4[%get3A_32, %get3A_33] {strides = array<i32>} : memref<32x2048xf32, #tpu.memory_space<vmem>>, vector<1x16xf32>,
      %get3A_35 = vector.shape_cast %get3A_34 : vector<1x16xf32> to vector<16xf32>
      %add3A_36 = arith.addf %add3A_31, %get3A_35 : vector<16xf32>
      %get3A_37 = arith.index_cast %scan3A_8 : i32 to index
      %get3A_38 = arith.constant 384 : index
      %get3A_39 = tpu.vector_load %arg4[%get3A_37, %get3A_38] {strides = array<i32>} : memref<32x2048xf32, #tpu.memory_space<vmem>>, vector<1x16xf32>,
      %get3A_40 = vector.shape_cast %get3A_39 : vector<1x16xf32> to vector<16xf32>
      %add3A_41 = arith.addf %add3A_36, %get3A_40 : vector<16xf32>
      %get3A_42 = arith.index_cast %scan3A_8 : i32 to index
      %get3A_43 = arith.constant 448 : index
      %get3A_44 = tpu.vector_load %arg4[%get3A_42, %get3A_43] {strides = array<i32>} : memref<32x2048xf32, #tpu.memory_space<vmem>>, vector<1x16xf32>,
      %get3A_45 = vector.shape_cast %get3A_44 : vector<1x16xf32> to vector<16xf32>
      %add3A_46 = arith.addf %add3A_41, %get3A_45 : vector<16xf32>
      %get3A_47 = arith.index_cast %scan3A_8 : i32 to index
      %get3A_48 = arith.constant 512 : index
      %get3A_49 = tpu.vector_load %arg4[%get3A_47, %get3A_48] {strides = array<i32>} : memref<32x2048xf32, #tpu.memory_space<vmem>>, vector<1x16xf32>,
      %get3A_50 = vector.shape_cast %get3A_49 : vector<1x16xf32> to vector<16xf32>
      %add3A_51 = arith.addf %add3A_46, %get3A_50 : vector<16xf32>
      %get3A_52 = arith.index_cast %scan3A_8 : i32 to index
      %get3A_53 = arith.constant 576 : index
      %get3A_54 = tpu.vector_load %arg4[%get3A_52, %get3A_53] {strides = array<i32>} : memref<32x2048xf32, #tpu.memory_space<vmem>>, vector<1x16xf32>,
      %get3A_55 = vector.shape_cast %get3A_54 : vector<1x16xf32> to vector<16xf32>
      %add3A_56 = arith.addf %add3A_51, %get3A_55 : vector<16xf32>
      %get3A_57 = arith.index_cast %scan3A_8 : i32 to index
      %get3A_58 = arith.constant 640 : index
      %get3A_59 = tpu.vector_load %arg4[%get3A_57, %get3A_58] {strides = array<i32>} : memref<32x2048xf32, #tpu.memory_space<vmem>>, vector<1x16xf32>,
      %get3A_60 = vector.shape_cast %get3A_59 : vector<1x16xf32> to vector<16xf32>
      %add3A_61 = arith.addf %add3A_56, %get3A_60 : vector<16xf32>
      %get3A_62 = arith.index_cast %scan3A_8 : i32 to index
      %get3A_63 = arith.constant 704 : index
      %get3A_64 = tpu.vector_load %arg4[%get3A_62, %get3A_63] {strides = array<i32>} : memref<32x2048xf32, #tpu.memory_space<vmem>>, vector<1x16xf32>,
      %get3A_65 = vector.shape_cast %get3A_64 : vector<1x16xf32> to vector<16xf32>
      %add3A_66 = arith.addf %add3A_61, %get3A_65 : vector<16xf32>
      %get3A_67 = arith.index_cast %scan3A_8 : i32 to index
      %get3A_68 = arith.constant 768 : index
      %get3A_69 = tpu.vector_load %arg4[%get3A_67, %get3A_68] {strides = array<i32>} : memref<32x2048xf32, #tpu.memory_space<vmem>>, vector<1x16xf32>,
      %get3A_70 = vector.shape_cast %get3A_69 : vector<1x16xf32> to vector<16xf32>
      %add3A_71 = arith.addf %add3A_66, %get3A_70 : vector<16xf32>
      %get3A_72 = arith.index_cast %scan3A_8 : i32 to index
      %get3A_73 = arith.constant 832 : index
      %get3A_74 = tpu.vector_load %arg4[%get3A_72, %get3A_73] {strides = array<i32>} : memref<32x2048xf32, #tpu.memory_space<vmem>>, vector<1x16xf32>,
      %get3A_75 = vector.shape_cast %get3A_74 : vector<1x16xf32> to vector<16xf32>
      %add3A_76 = arith.addf %add3A_71, %get3A_75 : vector<16xf32>
      %get3A_77 = arith.index_cast %scan3A_8 : i32 to index
      %get3A_78 = arith.constant 896 : index
      %get3A_79 = tpu.vector_load %arg4[%get3A_77, %get3A_78] {strides = array<i32>} : memref<32x2048xf32, #tpu.memory_space<vmem>>, vector<1x16xf32>,
      %get3A_80 = vector.shape_cast %get3A_79 : vector<1x16xf32> to vector<16xf32>
      %add3A_81 = arith.addf %add3A_76, %get3A_80 : vector<16xf32>
      %get3A_82 = arith.index_cast %scan3A_8 : i32 to index
      %get3A_83 = arith.constant 960 : index
      %get3A_84 = tpu.vector_load %arg4[%get3A_82, %get3A_83] {strides = array<i32>} : memref<32x2048xf32, #tpu.memory_space<vmem>>, vector<1x16xf32>,
      %get3A_85 = vector.shape_cast %get3A_84 : vector<1x16xf32> to vector<16xf32>
      %add3A_86 = arith.addf %add3A_81, %get3A_85 : vector<16xf32>
      %get3A_87 = arith.index_cast %scan3A_8 : i32 to index
      %get3A_88 = arith.constant 1024 : index
      %get3A_89 = tpu.vector_load %arg4[%get3A_87, %get3A_88] {strides = array<i32>} : memref<32x2048xf32, #tpu.memory_space<vmem>>, vector<1x16xf32>,
      %get3A_90 = vector.shape_cast %get3A_89 : vector<1x16xf32> to vector<16xf32>
      %add3A_91 = arith.addf %add3A_86, %get3A_90 : vector<16xf32>
      %get3A_92 = arith.index_cast %scan3A_8 : i32 to index
      %get3A_93 = arith.constant 1088 : index
      %get3A_94 = tpu.vector_load %arg4[%get3A_92, %get3A_93] {strides = array<i32>} : memref<32x2048xf32, #tpu.memory_space<vmem>>, vector<1x16xf32>,
      %get3A_95 = vector.shape_cast %get3A_94 : vector<1x16xf32> to vector<16xf32>
      %add3A_96 = arith.addf %add3A_91, %get3A_95 : vector<16xf32>
      %get3A_97 = arith.index_cast %scan3A_8 : i32 to index
      %get3A_98 = arith.constant 1152 : index
      %get3A_99 = tpu.vector_load %arg4[%get3A_97, %get3A_98] {strides = array<i32>} : memref<32x2048xf32, #tpu.memory_space<vmem>>, vector<1x16xf32>,
      %get3A_100 = vector.shape_cast %get3A_99 : vector<1x16xf32> to vector<16xf32>
      %add3A_101 = arith.addf %add3A_96, %get3A_100 : vector<16xf32>
      %get3A_102 = arith.index_cast %scan3A_8 : i32 to index
      %get3A_103 = arith.constant 1216 : index
      %get3A_104 = tpu.vector_load %arg4[%get3A_102, %get3A_103] {strides = array<i32>} : memref<32x2048xf32, #tpu.memory_space<vmem>>, vector<1x16xf32>,
      %get3A_105 = vector.shape_cast %get3A_104 : vector<1x16xf32> to vector<16xf32>
      %add3A_106 = arith.addf %add3A_101, %get3A_105 : vector<16xf32>
      %get3A_107 = arith.index_cast %scan3A_8 : i32 to index
      %get3A_108 = arith.constant 1280 : index
      %get3A_109 = tpu.vector_load %arg4[%get3A_107, %get3A_108] {strides = array<i32>} : memref<32x2048xf32, #tpu.memory_space<vmem>>, vector<1x16xf32>,
      %get3A_110 = vector.shape_cast %get3A_109 : vector<1x16xf32> to vector<16xf32>
      %add3A_111 = arith.addf %add3A_106, %get3A_110 : vector<16xf32>
      %get3A_112 = arith.index_cast %scan3A_8 : i32 to index
      %get3A_113 = arith.constant 1344 : index
      %get3A_114 = tpu.vector_load %arg4[%get3A_112, %get3A_113] {strides = array<i32>} : memref<32x2048xf32, #tpu.memory_space<vmem>>, vector<1x16xf32>,
      %get3A_115 = vector.shape_cast %get3A_114 : vector<1x16xf32> to vector<16xf32>
      %add3A_116 = arith.addf %add3A_111, %get3A_115 : vector<16xf32>
      %get3A_117 = arith.index_cast %scan3A_8 : i32 to index
      %get3A_118 = arith.constant 1408 : index
      %get3A_119 = tpu.vector_load %arg4[%get3A_117, %get3A_118] {strides = array<i32>} : memref<32x2048xf32, #tpu.memory_space<vmem>>, vector<1x16xf32>,
      %get3A_120 = vector.shape_cast %get3A_119 : vector<1x16xf32> to vector<16xf32>
      %add3A_121 = arith.addf %add3A_116, %get3A_120 : vector<16xf32>
      %get3A_122 = arith.index_cast %scan3A_8 : i32 to index
      %get3A_123 = arith.constant 1472 : index
      %get3A_124 = tpu.vector_load %arg4[%get3A_122, %get3A_123] {strides = array<i32>} : memref<32x2048xf32, #tpu.memory_space<vmem>>, vector<1x16xf32>,
      %get3A_125 = vector.shape_cast %get3A_124 : vector<1x16xf32> to vector<16xf32>
      %add3A_126 = arith.addf %add3A_121, %get3A_125 : vector<16xf32>
      %get3A_127 = arith.index_cast %scan3A_8 : i32 to index
      %get3A_128 = arith.constant 1536 : index
      %get3A_129 = tpu.vector_load %arg4[%get3A_127, %get3A_128] {strides = array<i32>} : memref<32x2048xf32, #tpu.memory_space<vmem>>, vector<1x16xf32>,
      %get3A_130 = vector.shape_cast %get3A_129 : vector<1x16xf32> to vector<16xf32>
      %add3A_131 = arith.addf %add3A_126, %get3A_130 : vector<16xf32>
      %get3A_132 = arith.index_cast %scan3A_8 : i32 to index
      %get3A_133 = arith.constant 1600 : index
      %get3A_134 = tpu.vector_load %arg4[%get3A_132, %get3A_133] {strides = array<i32>} : memref<32x2048xf32, #tpu.memory_space<vmem>>, vector<1x16xf32>,
      %get3A_135 = vector.shape_cast %get3A_134 : vector<1x16xf32> to vector<16xf32>
      %add3A_136 = arith.addf %add3A_131, %get3A_135 : vector<16xf32>
      %get3A_137 = arith.index_cast %scan3A_8 : i32 to index
      %get3A_138 = arith.constant 1664 : index
      %get3A_139 = tpu.vector_load %arg4[%get3A_137, %get3A_138] {strides = array<i32>} : memref<32x2048xf32, #tpu.memory_space<vmem>>, vector<1x16xf32>,
      %get3A_140 = vector.shape_cast %get3A_139 : vector<1x16xf32> to vector<16xf32>
      %add3A_141 = arith.addf %add3A_136, %get3A_140 : vector<16xf32>
      %get3A_142 = arith.index_cast %scan3A_8 : i32 to index
      %get3A_143 = arith.constant 1728 : index
      %get3A_144 = tpu.vector_load %arg4[%get3A_142, %get3A_143] {strides = array<i32>} : memref<32x2048xf32, #tpu.memory_space<vmem>>, vector<1x16xf32>,
      %get3A_145 = vector.shape_cast %get3A_144 : vector<1x16xf32> to vector<16xf32>
      %add3A_146 = arith.addf %add3A_141, %get3A_145 : vector<16xf32>
      %get3A_147 = arith.index_cast %scan3A_8 : i32 to index
      %get3A_148 = arith.constant 1792 : index
      %get3A_149 = tpu.vector_load %arg4[%get3A_147, %get3A_148] {strides = array<i32>} : memref<32x2048xf32, #tpu.memory_space<vmem>>, vector<1x16xf32>,
      %get3A_150 = vector.shape_cast %get3A_149 : vector<1x16xf32> to vector<16xf32>
      %add3A_151 = arith.addf %add3A_146, %get3A_150 : vector<16xf32>
      %get3A_152 = arith.index_cast %scan3A_8 : i32 to index
      %get3A_153 = arith.constant 1856 : index
      %get3A_154 = tpu.vector_load %arg4[%get3A_152, %get3A_153] {strides = array<i32>} : memref<32x2048xf32, #tpu.memory_space<vmem>>, vector<1x16xf32>,
      %get3A_155 = vector.shape_cast %get3A_154 : vector<1x16xf32> to vector<16xf32>
      %add3A_156 = arith.addf %add3A_151, %get3A_155 : vector<16xf32>
      %get3A_157 = arith.index_cast %scan3A_8 : i32 to index
      %get3A_158 = arith.constant 1920 : index
      %get3A_159 = tpu.vector_load %arg4[%get3A_157, %get3A_158] {strides = array<i32>} : memref<32x2048xf32, #tpu.memory_space<vmem>>, vector<1x16xf32>,
      %get3A_160 = vector.shape_cast %get3A_159 : vector<1x16xf32> to vector<16xf32>
      %add3A_161 = arith.addf %add3A_156, %get3A_160 : vector<16xf32>
      %get3A_162 = arith.index_cast %scan3A_8 : i32 to index
      %get3A_163 = arith.constant 1984 : index
      %get3A_164 = tpu.vector_load %arg4[%get3A_162, %get3A_163] {strides = array<i32>} : memref<32x2048xf32, #tpu.memory_space<vmem>>, vector<1x16xf32>,
      %get3A_165 = vector.shape_cast %get3A_164 : vector<1x16xf32> to vector<16xf32>
      %add3A_166 = arith.addf %add3A_161, %get3A_165 : vector<16xf32>
      %mul3A_167 = arith.constant 3.125000e-02 : f32
      %mul3A_168 = vector.broadcast %mul3A_167 : f32 to vector<16xf32>
      %mul3A_169 = arith.mulf %add3A_166, %mul3A_168 : vector<16xf32>
      %swap3A = arith.index_cast %scan3A_8 : i32 to index
      %swap3A_170 = arith.constant 0 : index
      %swap3A_171 = tpu.vector_load %arg5[%swap3A, %swap3A_170] {strides = array<i32>} : memref<32x64xf32, #tpu.memory_space<vmem>>, vector<1x16xf32>,
      %swap3A_172 = vector.shape_cast %swap3A_171 : vector<1x16xf32> to vector<16xf32>
      %swap3A_173 = vector.shape_cast %mul3A_169 : vector<16xf32> to vector<1x16xf32>
      tpu.vector_store %arg5[%swap3A, %swap3A_170], %swap3A_173 {strides = array<i32>} : memref<32x64xf32, #tpu.memory_space<vmem>>, vector<1x16xf32>,
      %get3A_174 = arith.index_cast %scan3A_8 : i32 to index
      %get3A_175 = arith.constant 16 : index
      %get3A_176 = tpu.vector_load %arg4[%get3A_174, %get3A_175] {strides = array<i32>} : memref<32x2048xf32, #tpu.memory_space<vmem>>, vector<1x16xf32>,
      %get3A_177 = vector.shape_cast %get3A_176 : vector<1x16xf32> to vector<16xf32>
      %get3A_178 = arith.index_cast %scan3A_8 : i32 to index
      %get3A_179 = arith.constant 80 : index
      %get3A_180 = tpu.vector_load %arg4[%get3A_178, %get3A_179] {strides = array<i32>} : memref<32x2048xf32, #tpu.memory_space<vmem>>, vector<1x16xf32>,
      %get3A_181 = vector.shape_cast %get3A_180 : vector<1x16xf32> to vector<16xf32>
      %add3A_182 = arith.addf %get3A_177, %get3A_181 : vector<16xf32>
      %get3A_183 = arith.index_cast %scan3A_8 : i32 to index
      %get3A_184 = arith.constant 144 : index
      %get3A_185 = tpu.vector_load %arg4[%get3A_183, %get3A_184] {strides = array<i32>} : memref<32x2048xf32, #tpu.memory_space<vmem>>, vector<1x16xf32>,
      %get3A_186 = vector.shape_cast %get3A_185 : vector<1x16xf32> to vector<16xf32>
      %add3A_187 = arith.addf %add3A_182, %get3A_186 : vector<16xf32>
      %get3A_188 = arith.index_cast %scan3A_8 : i32 to index
      %get3A_189 = arith.constant 208 : index
      %get3A_190 = tpu.vector_load %arg4[%get3A_188, %get3A_189] {strides = array<i32>} : memref<32x2048xf32, #tpu.memory_space<vmem>>, vector<1x16xf32>,
      %get3A_191 = vector.shape_cast %get3A_190 : vector<1x16xf32> to vector<16xf32>
      %add3A_192 = arith.addf %add3A_187, %get3A_191 : vector<16xf32>
      %get3A_193 = arith.index_cast %scan3A_8 : i32 to index
      %get3A_194 = arith.constant 272 : index
      %get3A_195 = tpu.vector_load %arg4[%get3A_193, %get3A_194] {strides = array<i32>} : memref<32x2048xf32, #tpu.memory_space<vmem>>, vector<1x16xf32>,
      %get3A_196 = vector.shape_cast %get3A_195 : vector<1x16xf32> to vector<16xf32>
      %add3A_197 = arith.addf %add3A_192, %get3A_196 : vector<16xf32>
      %get3A_198 = arith.index_cast %scan3A_8 : i32 to index
      %get3A_199 = arith.constant 336 : index
      %get3A_200 = tpu.vector_load %arg4[%get3A_198, %get3A_199] {strides = array<i32>} : memref<32x2048xf32, #tpu.memory_space<vmem>>, vector<1x16xf32>,
      %get3A_201 = vector.shape_cast %get3A_200 : vector<1x16xf32> to vector<16xf32>
      %add3A_202 = arith.addf %add3A_197, %get3A_201 : vector<16xf32>
      %get3A_203 = arith.index_cast %scan3A_8 : i32 to index
      %get3A_204 = arith.constant 400 : index
      %get3A_205 = tpu.vector_load %arg4[%get3A_203, %get3A_204] {strides = array<i32>} : memref<32x2048xf32, #tpu.memory_space<vmem>>, vector<1x16xf32>,
      %get3A_206 = vector.shape_cast %get3A_205 : vector<1x16xf32> to vector<16xf32>
      %add3A_207 = arith.addf %add3A_202, %get3A_206 : vector<16xf32>
      %get3A_208 = arith.index_cast %scan3A_8 : i32 to index
      %get3A_209 = arith.constant 464 : index
      %get3A_210 = tpu.vector_load %arg4[%get3A_208, %get3A_209] {strides = array<i32>} : memref<32x2048xf32, #tpu.memory_space<vmem>>, vector<1x16xf32>,
      %get3A_211 = vector.shape_cast %get3A_210 : vector<1x16xf32> to vector<16xf32>
      %add3A_212 = arith.addf %add3A_207, %get3A_211 : vector<16xf32>
      %get3A_213 = arith.index_cast %scan3A_8 : i32 to index
      %get3A_214 = arith.constant 528 : index
      %get3A_215 = tpu.vector_load %arg4[%get3A_213, %get3A_214] {strides = array<i32>} : memref<32x2048xf32, #tpu.memory_space<vmem>>, vector<1x16xf32>,
      %get3A_216 = vector.shape_cast %get3A_215 : vector<1x16xf32> to vector<16xf32>
      %add3A_217 = arith.addf %add3A_212, %get3A_216 : vector<16xf32>
      %get3A_218 = arith.index_cast %scan3A_8 : i32 to index
      %get3A_219 = arith.constant 592 : index
      %get3A_220 = tpu.vector_load %arg4[%get3A_218, %get3A_219] {strides = array<i32>} : memref<32x2048xf32, #tpu.memory_space<vmem>>, vector<1x16xf32>,
      %get3A_221 = vector.shape_cast %get3A_220 : vector<1x16xf32> to vector<16xf32>
      %add3A_222 = arith.addf %add3A_217, %get3A_221 : vector<16xf32>
      %get3A_223 = arith.index_cast %scan3A_8 : i32 to index
      %get3A_224 = arith.constant 656 : index
      %get3A_225 = tpu.vector_load %arg4[%get3A_223, %get3A_224] {strides = array<i32>} : memref<32x2048xf32, #tpu.memory_space<vmem>>, vector<1x16xf32>,
      %get3A_226 = vector.shape_cast %get3A_225 : vector<1x16xf32> to vector<16xf32>
      %add3A_227 = arith.addf %add3A_222, %get3A_226 : vector<16xf32>
      %get3A_228 = arith.index_cast %scan3A_8 : i32 to index
      %get3A_229 = arith.constant 720 : index
      %get3A_230 = tpu.vector_load %arg4[%get3A_228, %get3A_229] {strides = array<i32>} : memref<32x2048xf32, #tpu.memory_space<vmem>>, vector<1x16xf32>,
      %get3A_231 = vector.shape_cast %get3A_230 : vector<1x16xf32> to vector<16xf32>
      %add3A_232 = arith.addf %add3A_227, %get3A_231 : vector<16xf32>
      %get3A_233 = arith.index_cast %scan3A_8 : i32 to index
      %get3A_234 = arith.constant 784 : index
      %get3A_235 = tpu.vector_load %arg4[%get3A_233, %get3A_234] {strides = array<i32>} : memref<32x2048xf32, #tpu.memory_space<vmem>>, vector<1x16xf32>,
      %get3A_236 = vector.shape_cast %get3A_235 : vector<1x16xf32> to vector<16xf32>
      %add3A_237 = arith.addf %add3A_232, %get3A_236 : vector<16xf32>
      %get3A_238 = arith.index_cast %scan3A_8 : i32 to index
      %get3A_239 = arith.constant 848 : index
      %get3A_240 = tpu.vector_load %arg4[%get3A_238, %get3A_239] {strides = array<i32>} : memref<32x2048xf32, #tpu.memory_space<vmem>>, vector<1x16xf32>,
      %get3A_241 = vector.shape_cast %get3A_240 : vector<1x16xf32> to vector<16xf32>
      %add3A_242 = arith.addf %add3A_237, %get3A_241 : vector<16xf32>
      %get3A_243 = arith.index_cast %scan3A_8 : i32 to index
      %get3A_244 = arith.constant 912 : index
      %get3A_245 = tpu.vector_load %arg4[%get3A_243, %get3A_244] {strides = array<i32>} : memref<32x2048xf32, #tpu.memory_space<vmem>>, vector<1x16xf32>,
      %get3A_246 = vector.shape_cast %get3A_245 : vector<1x16xf32> to vector<16xf32>
      %add3A_247 = arith.addf %add3A_242, %get3A_246 : vector<16xf32>
      %get3A_248 = arith.index_cast %scan3A_8 : i32 to index
      %get3A_249 = arith.constant 976 : index
      %get3A_250 = tpu.vector_load %arg4[%get3A_248, %get3A_249] {strides = array<i32>} : memref<32x2048xf32, #tpu.memory_space<vmem>>, vector<1x16xf32>,
      %get3A_251 = vector.shape_cast %get3A_250 : vector<1x16xf32> to vector<16xf32>
      %add3A_252 = arith.addf %add3A_247, %get3A_251 : vector<16xf32>
      %get3A_253 = arith.index_cast %scan3A_8 : i32 to index
      %get3A_254 = arith.constant 1040 : index
      %get3A_255 = tpu.vector_load %arg4[%get3A_253, %get3A_254] {strides = array<i32>} : memref<32x2048xf32, #tpu.memory_space<vmem>>, vector<1x16xf32>,
      %get3A_256 = vector.shape_cast %get3A_255 : vector<1x16xf32> to vector<16xf32>
      %add3A_257 = arith.addf %add3A_252, %get3A_256 : vector<16xf32>
      %get3A_258 = arith.index_cast %scan3A_8 : i32 to index
      %get3A_259 = arith.constant 1104 : index
      %get3A_260 = tpu.vector_load %arg4[%get3A_258, %get3A_259] {strides = array<i32>} : memref<32x2048xf32, #tpu.memory_space<vmem>>, vector<1x16xf32>,
      %get3A_261 = vector.shape_cast %get3A_260 : vector<1x16xf32> to vector<16xf32>
      %add3A_262 = arith.addf %add3A_257, %get3A_261 : vector<16xf32>
      %get3A_263 = arith.index_cast %scan3A_8 : i32 to index
      %get3A_264 = arith.constant 1168 : index
      %get3A_265 = tpu.vector_load %arg4[%get3A_263, %get3A_264] {strides = array<i32>} : memref<32x2048xf32, #tpu.memory_space<vmem>>, vector<1x16xf32>,
      %get3A_266 = vector.shape_cast %get3A_265 : vector<1x16xf32> to vector<16xf32>
      %add3A_267 = arith.addf %add3A_262, %get3A_266 : vector<16xf32>
      %get3A_268 = arith.index_cast %scan3A_8 : i32 to index
      %get3A_269 = arith.constant 1232 : index
      %get3A_270 = tpu.vector_load %arg4[%get3A_268, %get3A_269] {strides = array<i32>} : memref<32x2048xf32, #tpu.memory_space<vmem>>, vector<1x16xf32>,
      %get3A_271 = vector.shape_cast %get3A_270 : vector<1x16xf32> to vector<16xf32>
      %add3A_272 = arith.addf %add3A_267, %get3A_271 : vector<16xf32>
      %get3A_273 = arith.index_cast %scan3A_8 : i32 to index
      %get3A_274 = arith.constant 1296 : index
      %get3A_275 = tpu.vector_load %arg4[%get3A_273, %get3A_274] {strides = array<i32>} : memref<32x2048xf32, #tpu.memory_space<vmem>>, vector<1x16xf32>,
      %get3A_276 = vector.shape_cast %get3A_275 : vector<1x16xf32> to vector<16xf32>
      %add3A_277 = arith.addf %add3A_272, %get3A_276 : vector<16xf32>
      %get3A_278 = arith.index_cast %scan3A_8 : i32 to index
      %get3A_279 = arith.constant 1360 : index
      %get3A_280 = tpu.vector_load %arg4[%get3A_278, %get3A_279] {strides = array<i32>} : memref<32x2048xf32, #tpu.memory_space<vmem>>, vector<1x16xf32>,
      %get3A_281 = vector.shape_cast %get3A_280 : vector<1x16xf32> to vector<16xf32>
      %add3A_282 = arith.addf %add3A_277, %get3A_281 : vector<16xf32>
      %get3A_283 = arith.index_cast %scan3A_8 : i32 to index
      %get3A_284 = arith.constant 1424 : index
      %get3A_285 = tpu.vector_load %arg4[%get3A_283, %get3A_284] {strides = array<i32>} : memref<32x2048xf32, #tpu.memory_space<vmem>>, vector<1x16xf32>,
      %get3A_286 = vector.shape_cast %get3A_285 : vector<1x16xf32> to vector<16xf32>
      %add3A_287 = arith.addf %add3A_282, %get3A_286 : vector<16xf32>
      %get3A_288 = arith.index_cast %scan3A_8 : i32 to index
      %get3A_289 = arith.constant 1488 : index
      %get3A_290 = tpu.vector_load %arg4[%get3A_288, %get3A_289] {strides = array<i32>} : memref<32x2048xf32, #tpu.memory_space<vmem>>, vector<1x16xf32>,
      %get3A_291 = vector.shape_cast %get3A_290 : vector<1x16xf32> to vector<16xf32>
      %add3A_292 = arith.addf %add3A_287, %get3A_291 : vector<16xf32>
      %get3A_293 = arith.index_cast %scan3A_8 : i32 to index
      %get3A_294 = arith.constant 1552 : index
      %get3A_295 = tpu.vector_load %arg4[%get3A_293, %get3A_294] {strides = array<i32>} : memref<32x2048xf32, #tpu.memory_space<vmem>>, vector<1x16xf32>,
      %get3A_296 = vector.shape_cast %get3A_295 : vector<1x16xf32> to vector<16xf32>
      %add3A_297 = arith.addf %add3A_292, %get3A_296 : vector<16xf32>
      %get3A_298 = arith.index_cast %scan3A_8 : i32 to index
      %get3A_299 = arith.constant 1616 : index
      %get3A_300 = tpu.vector_load %arg4[%get3A_298, %get3A_299] {strides = array<i32>} : memref<32x2048xf32, #tpu.memory_space<vmem>>, vector<1x16xf32>,
      %get3A_301 = vector.shape_cast %get3A_300 : vector<1x16xf32> to vector<16xf32>
      %add3A_302 = arith.addf %add3A_297, %get3A_301 : vector<16xf32>
      %get3A_303 = arith.index_cast %scan3A_8 : i32 to index
      %get3A_304 = arith.constant 1680 : index
      %get3A_305 = tpu.vector_load %arg4[%get3A_303, %get3A_304] {strides = array<i32>} : memref<32x2048xf32, #tpu.memory_space<vmem>>, vector<1x16xf32>,
      %get3A_306 = vector.shape_cast %get3A_305 : vector<1x16xf32> to vector<16xf32>
      %add3A_307 = arith.addf %add3A_302, %get3A_306 : vector<16xf32>
      %get3A_308 = arith.index_cast %scan3A_8 : i32 to index
      %get3A_309 = arith.constant 1744 : index
      %get3A_310 = tpu.vector_load %arg4[%get3A_308, %get3A_309] {strides = array<i32>} : memref<32x2048xf32, #tpu.memory_space<vmem>>, vector<1x16xf32>,
      %get3A_311 = vector.shape_cast %get3A_310 : vector<1x16xf32> to vector<16xf32>
      %add3A_312 = arith.addf %add3A_307, %get3A_311 : vector<16xf32>
      %get3A_313 = arith.index_cast %scan3A_8 : i32 to index
      %get3A_314 = arith.constant 1808 : index
      %get3A_315 = tpu.vector_load %arg4[%get3A_313, %get3A_314] {strides = array<i32>} : memref<32x2048xf32, #tpu.memory_space<vmem>>, vector<1x16xf32>,
      %get3A_316 = vector.shape_cast %get3A_315 : vector<1x16xf32> to vector<16xf32>
      %add3A_317 = arith.addf %add3A_312, %get3A_316 : vector<16xf32>
      %get3A_318 = arith.index_cast %scan3A_8 : i32 to index
      %get3A_319 = arith.constant 1872 : index
      %get3A_320 = tpu.vector_load %arg4[%get3A_318, %get3A_319] {strides = array<i32>} : memref<32x2048xf32, #tpu.memory_space<vmem>>, vector<1x16xf32>,
      %get3A_321 = vector.shape_cast %get3A_320 : vector<1x16xf32> to vector<16xf32>
      %add3A_322 = arith.addf %add3A_317, %get3A_321 : vector<16xf32>
      %get3A_323 = arith.index_cast %scan3A_8 : i32 to index
      %get3A_324 = arith.constant 1936 : index
      %get3A_325 = tpu.vector_load %arg4[%get3A_323, %get3A_324] {strides = array<i32>} : memref<32x2048xf32, #tpu.memory_space<vmem>>, vector<1x16xf32>,
      %get3A_326 = vector.shape_cast %get3A_325 : vector<1x16xf32> to vector<16xf32>
      %add3A_327 = arith.addf %add3A_322, %get3A_326 : vector<16xf32>
      %get3A_328 = arith.index_cast %scan3A_8 : i32 to index
      %get3A_329 = arith.constant 2000 : index
      %get3A_330 = tpu.vector_load %arg4[%get3A_328, %get3A_329] {strides = array<i32>} : memref<32x2048xf32, #tpu.memory_space<vmem>>, vector<1x16xf32>,
      %get3A_331 = vector.shape_cast %get3A_330 : vector<1x16xf32> to vector<16xf32>
      %add3A_332 = arith.addf %add3A_327, %get3A_331 : vector<16xf32>
      %mul3A_333 = arith.constant 3.125000e-02 : f32
      %mul3A_334 = vector.broadcast %mul3A_333 : f32 to vector<16xf32>
      %mul3A_335 = arith.mulf %add3A_332, %mul3A_334 : vector<16xf32>
      %swap3A_336 = arith.index_cast %scan3A_8 : i32 to index
      %swap3A_337 = arith.constant 16 : index
      %swap3A_338 = tpu.vector_load %arg5[%swap3A_336, %swap3A_337] {strides = array<i32>} : memref<32x64xf32, #tpu.memory_space<vmem>>, vector<1x16xf32>,
      %swap3A_339 = vector.shape_cast %swap3A_338 : vector<1x16xf32> to vector<16xf32>
      %swap3A_340 = vector.shape_cast %mul3A_335 : vector<16xf32> to vector<1x16xf32>
      tpu.vector_store %arg5[%swap3A_336, %swap3A_337], %swap3A_340 {strides = array<i32>} : memref<32x64xf32, #tpu.memory_space<vmem>>, vector<1x16xf32>,
      %get3A_341 = arith.index_cast %scan3A_8 : i32 to index
      %get3A_342 = arith.constant 32 : index
      %get3A_343 = tpu.vector_load %arg4[%get3A_341, %get3A_342] {strides = array<i32>} : memref<32x2048xf32, #tpu.memory_space<vmem>>, vector<1x16xf32>,
      %get3A_344 = vector.shape_cast %get3A_343 : vector<1x16xf32> to vector<16xf32>
      %get3A_345 = arith.index_cast %scan3A_8 : i32 to index
      %get3A_346 = arith.constant 96 : index
      %get3A_347 = tpu.vector_load %arg4[%get3A_345, %get3A_346] {strides = array<i32>} : memref<32x2048xf32, #tpu.memory_space<vmem>>, vector<1x16xf32>,
      %get3A_348 = vector.shape_cast %get3A_347 : vector<1x16xf32> to vector<16xf32>
      %add3A_349 = arith.addf %get3A_344, %get3A_348 : vector<16xf32>
      %get3A_350 = arith.index_cast %scan3A_8 : i32 to index
      %get3A_351 = arith.constant 160 : index
      %get3A_352 = tpu.vector_load %arg4[%get3A_350, %get3A_351] {strides = array<i32>} : memref<32x2048xf32, #tpu.memory_space<vmem>>, vector<1x16xf32>,
      %get3A_353 = vector.shape_cast %get3A_352 : vector<1x16xf32> to vector<16xf32>
      %add3A_354 = arith.addf %add3A_349, %get3A_353 : vector<16xf32>
      %get3A_355 = arith.index_cast %scan3A_8 : i32 to index
      %get3A_356 = arith.constant 224 : index
      %get3A_357 = tpu.vector_load %arg4[%get3A_355, %get3A_356] {strides = array<i32>} : memref<32x2048xf32, #tpu.memory_space<vmem>>, vector<1x16xf32>,
      %get3A_358 = vector.shape_cast %get3A_357 : vector<1x16xf32> to vector<16xf32>
      %add3A_359 = arith.addf %add3A_354, %get3A_358 : vector<16xf32>
      %get3A_360 = arith.index_cast %scan3A_8 : i32 to index
      %get3A_361 = arith.constant 288 : index
      %get3A_362 = tpu.vector_load %arg4[%get3A_360, %get3A_361] {strides = array<i32>} : memref<32x2048xf32, #tpu.memory_space<vmem>>, vector<1x16xf32>,
      %get3A_363 = vector.shape_cast %get3A_362 : vector<1x16xf32> to vector<16xf32>
      %add3A_364 = arith.addf %add3A_359, %get3A_363 : vector<16xf32>
      %get3A_365 = arith.index_cast %scan3A_8 : i32 to index
      %get3A_366 = arith.constant 352 : index
      %get3A_367 = tpu.vector_load %arg4[%get3A_365, %get3A_366] {strides = array<i32>} : memref<32x2048xf32, #tpu.memory_space<vmem>>, vector<1x16xf32>,
      %get3A_368 = vector.shape_cast %get3A_367 : vector<1x16xf32> to vector<16xf32>
      %add3A_369 = arith.addf %add3A_364, %get3A_368 : vector<16xf32>
      %get3A_370 = arith.index_cast %scan3A_8 : i32 to index
      %get3A_371 = arith.constant 416 : index
      %get3A_372 = tpu.vector_load %arg4[%get3A_370, %get3A_371] {strides = array<i32>} : memref<32x2048xf32, #tpu.memory_space<vmem>>, vector<1x16xf32>,
      %get3A_373 = vector.shape_cast %get3A_372 : vector<1x16xf32> to vector<16xf32>
      %add3A_374 = arith.addf %add3A_369, %get3A_373 : vector<16xf32>
      %get3A_375 = arith.index_cast %scan3A_8 : i32 to index
      %get3A_376 = arith.constant 480 : index
      %get3A_377 = tpu.vector_load %arg4[%get3A_375, %get3A_376] {strides = array<i32>} : memref<32x2048xf32, #tpu.memory_space<vmem>>, vector<1x16xf32>,
      %get3A_378 = vector.shape_cast %get3A_377 : vector<1x16xf32> to vector<16xf32>
      %add3A_379 = arith.addf %add3A_374, %get3A_378 : vector<16xf32>
      %get3A_380 = arith.index_cast %scan3A_8 : i32 to index
      %get3A_381 = arith.constant 544 : index
      %get3A_382 = tpu.vector_load %arg4[%get3A_380, %get3A_381] {strides = array<i32>} : memref<32x2048xf32, #tpu.memory_space<vmem>>, vector<1x16xf32>,
      %get3A_383 = vector.shape_cast %get3A_382 : vector<1x16xf32> to vector<16xf32>
      %add3A_384 = arith.addf %add3A_379, %get3A_383 : vector<16xf32>
      %get3A_385 = arith.index_cast %scan3A_8 : i32 to index
      %get3A_386 = arith.constant 608 : index
      %get3A_387 = tpu.vector_load %arg4[%get3A_385, %get3A_386] {strides = array<i32>} : memref<32x2048xf32, #tpu.memory_space<vmem>>, vector<1x16xf32>,
      %get3A_388 = vector.shape_cast %get3A_387 : vector<1x16xf32> to vector<16xf32>
      %add3A_389 = arith.addf %add3A_384, %get3A_388 : vector<16xf32>
      %get3A_390 = arith.index_cast %scan3A_8 : i32 to index
      %get3A_391 = arith.constant 672 : index
      %get3A_392 = tpu.vector_load %arg4[%get3A_390, %get3A_391] {strides = array<i32>} : memref<32x2048xf32, #tpu.memory_space<vmem>>, vector<1x16xf32>,
      %get3A_393 = vector.shape_cast %get3A_392 : vector<1x16xf32> to vector<16xf32>
      %add3A_394 = arith.addf %add3A_389, %get3A_393 : vector<16xf32>
      %get3A_395 = arith.index_cast %scan3A_8 : i32 to index
      %get3A_396 = arith.constant 736 : index
      %get3A_397 = tpu.vector_load %arg4[%get3A_395, %get3A_396] {strides = array<i32>} : memref<32x2048xf32, #tpu.memory_space<vmem>>, vector<1x16xf32>,
      %get3A_398 = vector.shape_cast %get3A_397 : vector<1x16xf32> to vector<16xf32>
      %add3A_399 = arith.addf %add3A_394, %get3A_398 : vector<16xf32>
      %get3A_400 = arith.index_cast %scan3A_8 : i32 to index
      %get3A_401 = arith.constant 800 : index
      %get3A_402 = tpu.vector_load %arg4[%get3A_400, %get3A_401] {strides = array<i32>} : memref<32x2048xf32, #tpu.memory_space<vmem>>, vector<1x16xf32>,
      %get3A_403 = vector.shape_cast %get3A_402 : vector<1x16xf32> to vector<16xf32>
      %add3A_404 = arith.addf %add3A_399, %get3A_403 : vector<16xf32>
      %get3A_405 = arith.index_cast %scan3A_8 : i32 to index
      %get3A_406 = arith.constant 864 : index
      %get3A_407 = tpu.vector_load %arg4[%get3A_405, %get3A_406] {strides = array<i32>} : memref<32x2048xf32, #tpu.memory_space<vmem>>, vector<1x16xf32>,
      %get3A_408 = vector.shape_cast %get3A_407 : vector<1x16xf32> to vector<16xf32>
      %add3A_409 = arith.addf %add3A_404, %get3A_408 : vector<16xf32>
      %get3A_410 = arith.index_cast %scan3A_8 : i32 to index
      %get3A_411 = arith.constant 928 : index
      %get3A_412 = tpu.vector_load %arg4[%get3A_410, %get3A_411] {strides = array<i32>} : memref<32x2048xf32, #tpu.memory_space<vmem>>, vector<1x16xf32>,
      %get3A_413 = vector.shape_cast %get3A_412 : vector<1x16xf32> to vector<16xf32>
      %add3A_414 = arith.addf %add3A_409, %get3A_413 : vector<16xf32>
      %get3A_415 = arith.index_cast %scan3A_8 : i32 to index
      %get3A_416 = arith.constant 992 : index
      %get3A_417 = tpu.vector_load %arg4[%get3A_415, %get3A_416] {strides = array<i32>} : memref<32x2048xf32, #tpu.memory_space<vmem>>, vector<1x16xf32>,
      %get3A_418 = vector.shape_cast %get3A_417 : vector<1x16xf32> to vector<16xf32>
      %add3A_419 = arith.addf %add3A_414, %get3A_418 : vector<16xf32>
      %get3A_420 = arith.index_cast %scan3A_8 : i32 to index
      %get3A_421 = arith.constant 1056 : index
      %get3A_422 = tpu.vector_load %arg4[%get3A_420, %get3A_421] {strides = array<i32>} : memref<32x2048xf32, #tpu.memory_space<vmem>>, vector<1x16xf32>,
      %get3A_423 = vector.shape_cast %get3A_422 : vector<1x16xf32> to vector<16xf32>
      %add3A_424 = arith.addf %add3A_419, %get3A_423 : vector<16xf32>
      %get3A_425 = arith.index_cast %scan3A_8 : i32 to index
      %get3A_426 = arith.constant 1120 : index
      %get3A_427 = tpu.vector_load %arg4[%get3A_425, %get3A_426] {strides = array<i32>} : memref<32x2048xf32, #tpu.memory_space<vmem>>, vector<1x16xf32>,
      %get3A_428 = vector.shape_cast %get3A_427 : vector<1x16xf32> to vector<16xf32>
      %add3A_429 = arith.addf %add3A_424, %get3A_428 : vector<16xf32>
      %get3A_430 = arith.index_cast %scan3A_8 : i32 to index
      %get3A_431 = arith.constant 1184 : index
      %get3A_432 = tpu.vector_load %arg4[%get3A_430, %get3A_431] {strides = array<i32>} : memref<32x2048xf32, #tpu.memory_space<vmem>>, vector<1x16xf32>,
      %get3A_433 = vector.shape_cast %get3A_432 : vector<1x16xf32> to vector<16xf32>
      %add3A_434 = arith.addf %add3A_429, %get3A_433 : vector<16xf32>
      %get3A_435 = arith.index_cast %scan3A_8 : i32 to index
      %get3A_436 = arith.constant 1248 : index
      %get3A_437 = tpu.vector_load %arg4[%get3A_435, %get3A_436] {strides = array<i32>} : memref<32x2048xf32, #tpu.memory_space<vmem>>, vector<1x16xf32>,
      %get3A_438 = vector.shape_cast %get3A_437 : vector<1x16xf32> to vector<16xf32>
      %add3A_439 = arith.addf %add3A_434, %get3A_438 : vector<16xf32>
      %get3A_440 = arith.index_cast %scan3A_8 : i32 to index
      %get3A_441 = arith.constant 1312 : index
      %get3A_442 = tpu.vector_load %arg4[%get3A_440, %get3A_441] {strides = array<i32>} : memref<32x2048xf32, #tpu.memory_space<vmem>>, vector<1x16xf32>,
      %get3A_443 = vector.shape_cast %get3A_442 : vector<1x16xf32> to vector<16xf32>
      %add3A_444 = arith.addf %add3A_439, %get3A_443 : vector<16xf32>
      %get3A_445 = arith.index_cast %scan3A_8 : i32 to index
      %get3A_446 = arith.constant 1376 : index
      %get3A_447 = tpu.vector_load %arg4[%get3A_445, %get3A_446] {strides = array<i32>} : memref<32x2048xf32, #tpu.memory_space<vmem>>, vector<1x16xf32>,
      %get3A_448 = vector.shape_cast %get3A_447 : vector<1x16xf32> to vector<16xf32>
      %add3A_449 = arith.addf %add3A_444, %get3A_448 : vector<16xf32>
      %get3A_450 = arith.index_cast %scan3A_8 : i32 to index
      %get3A_451 = arith.constant 1440 : index
      %get3A_452 = tpu.vector_load %arg4[%get3A_450, %get3A_451] {strides = array<i32>} : memref<32x2048xf32, #tpu.memory_space<vmem>>, vector<1x16xf32>,
      %get3A_453 = vector.shape_cast %get3A_452 : vector<1x16xf32> to vector<16xf32>
      %add3A_454 = arith.addf %add3A_449, %get3A_453 : vector<16xf32>
      %get3A_455 = arith.index_cast %scan3A_8 : i32 to index
      %get3A_456 = arith.constant 1504 : index
      %get3A_457 = tpu.vector_load %arg4[%get3A_455, %get3A_456] {strides = array<i32>} : memref<32x2048xf32, #tpu.memory_space<vmem>>, vector<1x16xf32>,
      %get3A_458 = vector.shape_cast %get3A_457 : vector<1x16xf32> to vector<16xf32>
      %add3A_459 = arith.addf %add3A_454, %get3A_458 : vector<16xf32>
      %get3A_460 = arith.index_cast %scan3A_8 : i32 to index
      %get3A_461 = arith.constant 1568 : index
      %get3A_462 = tpu.vector_load %arg4[%get3A_460, %get3A_461] {strides = array<i32>} : memref<32x2048xf32, #tpu.memory_space<vmem>>, vector<1x16xf32>,
      %get3A_463 = vector.shape_cast %get3A_462 : vector<1x16xf32> to vector<16xf32>
      %add3A_464 = arith.addf %add3A_459, %get3A_463 : vector<16xf32>
      %get3A_465 = arith.index_cast %scan3A_8 : i32 to index
      %get3A_466 = arith.constant 1632 : index
      %get3A_467 = tpu.vector_load %arg4[%get3A_465, %get3A_466] {strides = array<i32>} : memref<32x2048xf32, #tpu.memory_space<vmem>>, vector<1x16xf32>,
      %get3A_468 = vector.shape_cast %get3A_467 : vector<1x16xf32> to vector<16xf32>
      %add3A_469 = arith.addf %add3A_464, %get3A_468 : vector<16xf32>
      %get3A_470 = arith.index_cast %scan3A_8 : i32 to index
      %get3A_471 = arith.constant 1696 : index
      %get3A_472 = tpu.vector_load %arg4[%get3A_470, %get3A_471] {strides = array<i32>} : memref<32x2048xf32, #tpu.memory_space<vmem>>, vector<1x16xf32>,
      %get3A_473 = vector.shape_cast %get3A_472 : vector<1x16xf32> to vector<16xf32>
      %add3A_474 = arith.addf %add3A_469, %get3A_473 : vector<16xf32>
      %get3A_475 = arith.index_cast %scan3A_8 : i32 to index
      %get3A_476 = arith.constant 1760 : index
      %get3A_477 = tpu.vector_load %arg4[%get3A_475, %get3A_476] {strides = array<i32>} : memref<32x2048xf32, #tpu.memory_space<vmem>>, vector<1x16xf32>,
      %get3A_478 = vector.shape_cast %get3A_477 : vector<1x16xf32> to vector<16xf32>
      %add3A_479 = arith.addf %add3A_474, %get3A_478 : vector<16xf32>
      %get3A_480 = arith.index_cast %scan3A_8 : i32 to index
      %get3A_481 = arith.constant 1824 : index
      %get3A_482 = tpu.vector_load %arg4[%get3A_480, %get3A_481] {strides = array<i32>} : memref<32x2048xf32, #tpu.memory_space<vmem>>, vector<1x16xf32>,
      %get3A_483 = vector.shape_cast %get3A_482 : vector<1x16xf32> to vector<16xf32>
      %add3A_484 = arith.addf %add3A_479, %get3A_483 : vector<16xf32>
      %get3A_485 = arith.index_cast %scan3A_8 : i32 to index
      %get3A_486 = arith.constant 1888 : index
      %get3A_487 = tpu.vector_load %arg4[%get3A_485, %get3A_486] {strides = array<i32>} : memref<32x2048xf32, #tpu.memory_space<vmem>>, vector<1x16xf32>,
      %get3A_488 = vector.shape_cast %get3A_487 : vector<1x16xf32> to vector<16xf32>
      %add3A_489 = arith.addf %add3A_484, %get3A_488 : vector<16xf32>
      %get3A_490 = arith.index_cast %scan3A_8 : i32 to index
      %get3A_491 = arith.constant 1952 : index
      %get3A_492 = tpu.vector_load %arg4[%get3A_490, %get3A_491] {strides = array<i32>} : memref<32x2048xf32, #tpu.memory_space<vmem>>, vector<1x16xf32>,
      %get3A_493 = vector.shape_cast %get3A_492 : vector<1x16xf32> to vector<16xf32>
      %add3A_494 = arith.addf %add3A_489, %get3A_493 : vector<16xf32>
      %get3A_495 = arith.index_cast %scan3A_8 : i32 to index
      %get3A_496 = arith.constant 2016 : index
      %get3A_497 = tpu.vector_load %arg4[%get3A_495, %get3A_496] {strides = array<i32>} : memref<32x2048xf32, #tpu.memory_space<vmem>>, vector<1x16xf32>,
      %get3A_498 = vector.shape_cast %get3A_497 : vector<1x16xf32> to vector<16xf32>
      %add3A_499 = arith.addf %add3A_494, %get3A_498 : vector<16xf32>
      %mul3A_500 = arith.constant 3.125000e-02 : f32
      %mul3A_501 = vector.broadcast %mul3A_500 : f32 to vector<16xf32>
      %mul3A_502 = arith.mulf %add3A_499, %mul3A_501 : vector<16xf32>
      %swap3A_503 = arith.index_cast %scan3A_8 : i32 to index
      %swap3A_504 = arith.constant 32 : index
      %swap3A_505 = tpu.vector_load %arg5[%swap3A_503, %swap3A_504] {strides = array<i32>} : memref<32x64xf32, #tpu.memory_space<vmem>>, vector<1x16xf32>,
      %swap3A_506 = vector.shape_cast %swap3A_505 : vector<1x16xf32> to vector<16xf32>
      %swap3A_507 = vector.shape_cast %mul3A_502 : vector<16xf32> to vector<1x16xf32>
      tpu.vector_store %arg5[%swap3A_503, %swap3A_504], %swap3A_507 {strides = array<i32>} : memref<32x64xf32, #tpu.memory_space<vmem>>, vector<1x16xf32>,
      %get3A_508 = arith.index_cast %scan3A_8 : i32 to index
      %get3A_509 = arith.constant 48 : index
      %get3A_510 = tpu.vector_load %arg4[%get3A_508, %get3A_509] {strides = array<i32>} : memref<32x2048xf32, #tpu.memory_space<vmem>>, vector<1x16xf32>,
      %get3A_511 = vector.shape_cast %get3A_510 : vector<1x16xf32> to vector<16xf32>
      %get3A_512 = arith.index_cast %scan3A_8 : i32 to index
      %get3A_513 = arith.constant 112 : index
      %get3A_514 = tpu.vector_load %arg4[%get3A_512, %get3A_513] {strides = array<i32>} : memref<32x2048xf32, #tpu.memory_space<vmem>>, vector<1x16xf32>,
      %get3A_515 = vector.shape_cast %get3A_514 : vector<1x16xf32> to vector<16xf32>
      %add3A_516 = arith.addf %get3A_511, %get3A_515 : vector<16xf32>
      %get3A_517 = arith.index_cast %scan3A_8 : i32 to index
      %get3A_518 = arith.constant 176 : index
      %get3A_519 = tpu.vector_load %arg4[%get3A_517, %get3A_518] {strides = array<i32>} : memref<32x2048xf32, #tpu.memory_space<vmem>>, vector<1x16xf32>,
      %get3A_520 = vector.shape_cast %get3A_519 : vector<1x16xf32> to vector<16xf32>
      %add3A_521 = arith.addf %add3A_516, %get3A_520 : vector<16xf32>
      %get3A_522 = arith.index_cast %scan3A_8 : i32 to index
      %get3A_523 = arith.constant 240 : index
      %get3A_524 = tpu.vector_load %arg4[%get3A_522, %get3A_523] {strides = array<i32>} : memref<32x2048xf32, #tpu.memory_space<vmem>>, vector<1x16xf32>,
      %get3A_525 = vector.shape_cast %get3A_524 : vector<1x16xf32> to vector<16xf32>
      %add3A_526 = arith.addf %add3A_521, %get3A_525 : vector<16xf32>
      %get3A_527 = arith.index_cast %scan3A_8 : i32 to index
      %get3A_528 = arith.constant 304 : index
      %get3A_529 = tpu.vector_load %arg4[%get3A_527, %get3A_528] {strides = array<i32>} : memref<32x2048xf32, #tpu.memory_space<vmem>>, vector<1x16xf32>,
      %get3A_530 = vector.shape_cast %get3A_529 : vector<1x16xf32> to vector<16xf32>
      %add3A_531 = arith.addf %add3A_526, %get3A_530 : vector<16xf32>
      %get3A_532 = arith.index_cast %scan3A_8 : i32 to index
      %get3A_533 = arith.constant 368 : index
      %get3A_534 = tpu.vector_load %arg4[%get3A_532, %get3A_533] {strides = array<i32>} : memref<32x2048xf32, #tpu.memory_space<vmem>>, vector<1x16xf32>,
      %get3A_535 = vector.shape_cast %get3A_534 : vector<1x16xf32> to vector<16xf32>
      %add3A_536 = arith.addf %add3A_531, %get3A_535 : vector<16xf32>
      %get3A_537 = arith.index_cast %scan3A_8 : i32 to index
      %get3A_538 = arith.constant 432 : index
      %get3A_539 = tpu.vector_load %arg4[%get3A_537, %get3A_538] {strides = array<i32>} : memref<32x2048xf32, #tpu.memory_space<vmem>>, vector<1x16xf32>,
      %get3A_540 = vector.shape_cast %get3A_539 : vector<1x16xf32> to vector<16xf32>
      %add3A_541 = arith.addf %add3A_536, %get3A_540 : vector<16xf32>
      %get3A_542 = arith.index_cast %scan3A_8 : i32 to index
      %get3A_543 = arith.constant 496 : index
      %get3A_544 = tpu.vector_load %arg4[%get3A_542, %get3A_543] {strides = array<i32>} : memref<32x2048xf32, #tpu.memory_space<vmem>>, vector<1x16xf32>,
      %get3A_545 = vector.shape_cast %get3A_544 : vector<1x16xf32> to vector<16xf32>
      %add3A_546 = arith.addf %add3A_541, %get3A_545 : vector<16xf32>
      %get3A_547 = arith.index_cast %scan3A_8 : i32 to index
      %get3A_548 = arith.constant 560 : index
      %get3A_549 = tpu.vector_load %arg4[%get3A_547, %get3A_548] {strides = array<i32>} : memref<32x2048xf32, #tpu.memory_space<vmem>>, vector<1x16xf32>,
      %get3A_550 = vector.shape_cast %get3A_549 : vector<1x16xf32> to vector<16xf32>
      %add3A_551 = arith.addf %add3A_546, %get3A_550 : vector<16xf32>
      %get3A_552 = arith.index_cast %scan3A_8 : i32 to index
      %get3A_553 = arith.constant 624 : index
      %get3A_554 = tpu.vector_load %arg4[%get3A_552, %get3A_553] {strides = array<i32>} : memref<32x2048xf32, #tpu.memory_space<vmem>>, vector<1x16xf32>,
      %get3A_555 = vector.shape_cast %get3A_554 : vector<1x16xf32> to vector<16xf32>
      %add3A_556 = arith.addf %add3A_551, %get3A_555 : vector<16xf32>
      %get3A_557 = arith.index_cast %scan3A_8 : i32 to index
      %get3A_558 = arith.constant 688 : index
      %get3A_559 = tpu.vector_load %arg4[%get3A_557, %get3A_558] {strides = array<i32>} : memref<32x2048xf32, #tpu.memory_space<vmem>>, vector<1x16xf32>,
      %get3A_560 = vector.shape_cast %get3A_559 : vector<1x16xf32> to vector<16xf32>
      %add3A_561 = arith.addf %add3A_556, %get3A_560 : vector<16xf32>
      %get3A_562 = arith.index_cast %scan3A_8 : i32 to index
      %get3A_563 = arith.constant 752 : index
      %get3A_564 = tpu.vector_load %arg4[%get3A_562, %get3A_563] {strides = array<i32>} : memref<32x2048xf32, #tpu.memory_space<vmem>>, vector<1x16xf32>,
      %get3A_565 = vector.shape_cast %get3A_564 : vector<1x16xf32> to vector<16xf32>
      %add3A_566 = arith.addf %add3A_561, %get3A_565 : vector<16xf32>
      %get3A_567 = arith.index_cast %scan3A_8 : i32 to index
      %get3A_568 = arith.constant 816 : index
      %get3A_569 = tpu.vector_load %arg4[%get3A_567, %get3A_568] {strides = array<i32>} : memref<32x2048xf32, #tpu.memory_space<vmem>>, vector<1x16xf32>,
      %get3A_570 = vector.shape_cast %get3A_569 : vector<1x16xf32> to vector<16xf32>
      %add3A_571 = arith.addf %add3A_566, %get3A_570 : vector<16xf32>
      %get3A_572 = arith.index_cast %scan3A_8 : i32 to index
      %get3A_573 = arith.constant 880 : index
      %get3A_574 = tpu.vector_load %arg4[%get3A_572, %get3A_573] {strides = array<i32>} : memref<32x2048xf32, #tpu.memory_space<vmem>>, vector<1x16xf32>,
      %get3A_575 = vector.shape_cast %get3A_574 : vector<1x16xf32> to vector<16xf32>
      %add3A_576 = arith.addf %add3A_571, %get3A_575 : vector<16xf32>
      %get3A_577 = arith.index_cast %scan3A_8 : i32 to index
      %get3A_578 = arith.constant 944 : index
      %get3A_579 = tpu.vector_load %arg4[%get3A_577, %get3A_578] {strides = array<i32>} : memref<32x2048xf32, #tpu.memory_space<vmem>>, vector<1x16xf32>,
      %get3A_580 = vector.shape_cast %get3A_579 : vector<1x16xf32> to vector<16xf32>
      %add3A_581 = arith.addf %add3A_576, %get3A_580 : vector<16xf32>
      %get3A_582 = arith.index_cast %scan3A_8 : i32 to index
      %get3A_583 = arith.constant 1008 : index
      %get3A_584 = tpu.vector_load %arg4[%get3A_582, %get3A_583] {strides = array<i32>} : memref<32x2048xf32, #tpu.memory_space<vmem>>, vector<1x16xf32>,
      %get3A_585 = vector.shape_cast %get3A_584 : vector<1x16xf32> to vector<16xf32>
      %add3A_586 = arith.addf %add3A_581, %get3A_585 : vector<16xf32>
      %get3A_587 = arith.index_cast %scan3A_8 : i32 to index
      %get3A_588 = arith.constant 1072 : index
      %get3A_589 = tpu.vector_load %arg4[%get3A_587, %get3A_588] {strides = array<i32>} : memref<32x2048xf32, #tpu.memory_space<vmem>>, vector<1x16xf32>,
      %get3A_590 = vector.shape_cast %get3A_589 : vector<1x16xf32> to vector<16xf32>
      %add3A_591 = arith.addf %add3A_586, %get3A_590 : vector<16xf32>
      %get3A_592 = arith.index_cast %scan3A_8 : i32 to index
      %get3A_593 = arith.constant 1136 : index
      %get3A_594 = tpu.vector_load %arg4[%get3A_592, %get3A_593] {strides = array<i32>} : memref<32x2048xf32, #tpu.memory_space<vmem>>, vector<1x16xf32>,
      %get3A_595 = vector.shape_cast %get3A_594 : vector<1x16xf32> to vector<16xf32>
      %add3A_596 = arith.addf %add3A_591, %get3A_595 : vector<16xf32>
      %get3A_597 = arith.index_cast %scan3A_8 : i32 to index
      %get3A_598 = arith.constant 1200 : index
      %get3A_599 = tpu.vector_load %arg4[%get3A_597, %get3A_598] {strides = array<i32>} : memref<32x2048xf32, #tpu.memory_space<vmem>>, vector<1x16xf32>,
      %get3A_600 = vector.shape_cast %get3A_599 : vector<1x16xf32> to vector<16xf32>
      %add3A_601 = arith.addf %add3A_596, %get3A_600 : vector<16xf32>
      %get3A_602 = arith.index_cast %scan3A_8 : i32 to index
      %get3A_603 = arith.constant 1264 : index
      %get3A_604 = tpu.vector_load %arg4[%get3A_602, %get3A_603] {strides = array<i32>} : memref<32x2048xf32, #tpu.memory_space<vmem>>, vector<1x16xf32>,
      %get3A_605 = vector.shape_cast %get3A_604 : vector<1x16xf32> to vector<16xf32>
      %add3A_606 = arith.addf %add3A_601, %get3A_605 : vector<16xf32>
      %get3A_607 = arith.index_cast %scan3A_8 : i32 to index
      %get3A_608 = arith.constant 1328 : index
      %get3A_609 = tpu.vector_load %arg4[%get3A_607, %get3A_608] {strides = array<i32>} : memref<32x2048xf32, #tpu.memory_space<vmem>>, vector<1x16xf32>,
      %get3A_610 = vector.shape_cast %get3A_609 : vector<1x16xf32> to vector<16xf32>
      %add3A_611 = arith.addf %add3A_606, %get3A_610 : vector<16xf32>
      %get3A_612 = arith.index_cast %scan3A_8 : i32 to index
      %get3A_613 = arith.constant 1392 : index
      %get3A_614 = tpu.vector_load %arg4[%get3A_612, %get3A_613] {strides = array<i32>} : memref<32x2048xf32, #tpu.memory_space<vmem>>, vector<1x16xf32>,
      %get3A_615 = vector.shape_cast %get3A_614 : vector<1x16xf32> to vector<16xf32>
      %add3A_616 = arith.addf %add3A_611, %get3A_615 : vector<16xf32>
      %get3A_617 = arith.index_cast %scan3A_8 : i32 to index
      %get3A_618 = arith.constant 1456 : index
      %get3A_619 = tpu.vector_load %arg4[%get3A_617, %get3A_618] {strides = array<i32>} : memref<32x2048xf32, #tpu.memory_space<vmem>>, vector<1x16xf32>,
      %get3A_620 = vector.shape_cast %get3A_619 : vector<1x16xf32> to vector<16xf32>
      %add3A_621 = arith.addf %add3A_616, %get3A_620 : vector<16xf32>
      %get3A_622 = arith.index_cast %scan3A_8 : i32 to index
      %get3A_623 = arith.constant 1520 : index
      %get3A_624 = tpu.vector_load %arg4[%get3A_622, %get3A_623] {strides = array<i32>} : memref<32x2048xf32, #tpu.memory_space<vmem>>, vector<1x16xf32>,
      %get3A_625 = vector.shape_cast %get3A_624 : vector<1x16xf32> to vector<16xf32>
      %add3A_626 = arith.addf %add3A_621, %get3A_625 : vector<16xf32>
      %get3A_627 = arith.index_cast %scan3A_8 : i32 to index
      %get3A_628 = arith.constant 1584 : index
      %get3A_629 = tpu.vector_load %arg4[%get3A_627, %get3A_628] {strides = array<i32>} : memref<32x2048xf32, #tpu.memory_space<vmem>>, vector<1x16xf32>,
      %get3A_630 = vector.shape_cast %get3A_629 : vector<1x16xf32> to vector<16xf32>
      %add3A_631 = arith.addf %add3A_626, %get3A_630 : vector<16xf32>
      %get3A_632 = arith.index_cast %scan3A_8 : i32 to index
      %get3A_633 = arith.constant 1648 : index
      %get3A_634 = tpu.vector_load %arg4[%get3A_632, %get3A_633] {strides = array<i32>} : memref<32x2048xf32, #tpu.memory_space<vmem>>, vector<1x16xf32>,
      %get3A_635 = vector.shape_cast %get3A_634 : vector<1x16xf32> to vector<16xf32>
      %add3A_636 = arith.addf %add3A_631, %get3A_635 : vector<16xf32>
      %get3A_637 = arith.index_cast %scan3A_8 : i32 to index
      %get3A_638 = arith.constant 1712 : index
      %get3A_639 = tpu.vector_load %arg4[%get3A_637, %get3A_638] {strides = array<i32>} : memref<32x2048xf32, #tpu.memory_space<vmem>>, vector<1x16xf32>,
      %get3A_640 = vector.shape_cast %get3A_639 : vector<1x16xf32> to vector<16xf32>
      %add3A_641 = arith.addf %add3A_636, %get3A_640 : vector<16xf32>
      %get3A_642 = arith.index_cast %scan3A_8 : i32 to index
      %get3A_643 = arith.constant 1776 : index
      %get3A_644 = tpu.vector_load %arg4[%get3A_642, %get3A_643] {strides = array<i32>} : memref<32x2048xf32, #tpu.memory_space<vmem>>, vector<1x16xf32>,
      %get3A_645 = vector.shape_cast %get3A_644 : vector<1x16xf32> to vector<16xf32>
      %add3A_646 = arith.addf %add3A_641, %get3A_645 : vector<16xf32>
      %get3A_647 = arith.index_cast %scan3A_8 : i32 to index
      %get3A_648 = arith.constant 1840 : index
      %get3A_649 = tpu.vector_load %arg4[%get3A_647, %get3A_648] {strides = array<i32>} : memref<32x2048xf32, #tpu.memory_space<vmem>>, vector<1x16xf32>,
      %get3A_650 = vector.shape_cast %get3A_649 : vector<1x16xf32> to vector<16xf32>
      %add3A_651 = arith.addf %add3A_646, %get3A_650 : vector<16xf32>
      %get3A_652 = arith.index_cast %scan3A_8 : i32 to index
      %get3A_653 = arith.constant 1904 : index
      %get3A_654 = tpu.vector_load %arg4[%get3A_652, %get3A_653] {strides = array<i32>} : memref<32x2048xf32, #tpu.memory_space<vmem>>, vector<1x16xf32>,
      %get3A_655 = vector.shape_cast %get3A_654 : vector<1x16xf32> to vector<16xf32>
      %add3A_656 = arith.addf %add3A_651, %get3A_655 : vector<16xf32>
      %get3A_657 = arith.index_cast %scan3A_8 : i32 to index
      %get3A_658 = arith.constant 1968 : index
      %get3A_659 = tpu.vector_load %arg4[%get3A_657, %get3A_658] {strides = array<i32>} : memref<32x2048xf32, #tpu.memory_space<vmem>>, vector<1x16xf32>,
      %get3A_660 = vector.shape_cast %get3A_659 : vector<1x16xf32> to vector<16xf32>
      %add3A_661 = arith.addf %add3A_656, %get3A_660 : vector<16xf32>
      %get3A_662 = arith.index_cast %scan3A_8 : i32 to index
      %get3A_663 = arith.constant 2032 : index
      %get3A_664 = tpu.vector_load %arg4[%get3A_662, %get3A_663] {strides = array<i32>} : memref<32x2048xf32, #tpu.memory_space<vmem>>, vector<1x16xf32>,
      %get3A_665 = vector.shape_cast %get3A_664 : vector<1x16xf32> to vector<16xf32>
      %add3A_666 = arith.addf %add3A_661, %get3A_665 : vector<16xf32>
      %mul3A_667 = arith.constant 3.125000e-02 : f32
      %mul3A_668 = vector.broadcast %mul3A_667 : f32 to vector<16xf32>
      %mul3A_669 = arith.mulf %add3A_666, %mul3A_668 : vector<16xf32>
      %swap3A_670 = arith.index_cast %scan3A_8 : i32 to index
      %swap3A_671 = arith.constant 48 : index
      %swap3A_672 = tpu.vector_load %arg5[%swap3A_670, %swap3A_671] {strides = array<i32>} : memref<32x64xf32, #tpu.memory_space<vmem>>, vector<1x16xf32>,
      %swap3A_673 = vector.shape_cast %swap3A_672 : vector<1x16xf32> to vector<16xf32>
      %swap3A_674 = vector.shape_cast %mul3A_669 : vector<16xf32> to vector<1x16xf32>
      tpu.vector_store %arg5[%swap3A_670, %swap3A_671], %swap3A_674 {strides = array<i32>} : memref<32x64xf32, #tpu.memory_space<vmem>>, vector<1x16xf32>,
    }
    %scan3A_7 = arith.constant 32 : i32
    "tpu.region"() ({
      %run_scoped3A = tpu.sem_alloc : memref<!tpu.dma_semaphore, #tpu.memory_space<semaphore_mem>>
      %dma_start3A = arith.constant 0 : i32
      %dma_start3A_8 = tpu.memref_slice %arg3[%mul3A_2, %dma_start3A] : memref<1024x64xf32, #tpu.memory_space<hbm>> -> memref<32x64xf32, #tpu.memory_space<hbm>>
      %dma_start3A_9 = arith.constant 0 : i32
      %dma_start3A_10 = tpu.memref_slice %arg3[%mul3A_2, %dma_start3A_9] : memref<1024x64xf32, #tpu.memory_space<hbm>> -> memref<32x64xf32, #tpu.memory_space<hbm>>
      tpu.enqueue_dma source(%arg5 : memref<32x64xf32, #tpu.memory_space<vmem>>) target(%dma_start3A_10 : memref<32x64xf32, #tpu.memory_space<hbm>>) target_semaphore(%run_scoped3A : memref<!tpu.dma_semaphore, #tpu.memory_space<semaphore_mem>>)
      %dma_wait3A = arith.constant 0 : i32
      %dma_wait3A_11 = tpu.memref_slice %arg3[%mul3A_2, %dma_wait3A] : memref<1024x64xf32, #tpu.memory_space<hbm>> -> memref<32x64xf32, #tpu.memory_space<hbm>>
      %dma_wait3A_12 = arith.constant 0 : i32
      %dma_wait3A_13 = tpu.memref_slice %arg3[%mul3A_2, %dma_wait3A_12] : memref<1024x64xf32, #tpu.memory_space<hbm>> -> memref<32x64xf32, #tpu.memory_space<hbm>>
      tpu.wait_dma2 semaphore(%run_scoped3A : memref<!tpu.dma_semaphore, #tpu.memory_space<semaphore_mem>>) src(%arg5 : memref<32x64xf32, #tpu.memory_space<vmem>>) dst(%dma_wait3A_13 : memref<32x64xf32, #tpu.memory_space<hbm>>)
      tpu.yield
    }) : () -> ()
    return
  }
}

module attributes {stable_mosaic.version = 14 : i64} {
  func.func @_mlp_body(%arg0: memref<1024x64xf32, #tpu.memory_space<vmem>>, %arg1: memref<64x64xf32, #tpu.memory_space<vmem>>, %arg2: memref<64xf32, #tpu.memory_space<vmem>>, %arg3: memref<64x64xf32, #tpu.memory_space<vmem>>, %arg4: memref<64xf32, #tpu.memory_space<vmem>>, %arg5: memref<64x64xf32, #tpu.memory_space<vmem>>, %arg6: memref<64xf32, #tpu.memory_space<vmem>>, %arg7: memref<64x64xf32, #tpu.memory_space<vmem>>, %arg8: memref<64xf32, #tpu.memory_space<vmem>>, %arg9: memref<1024x64xf32, #tpu.memory_space<vmem>>) attributes {dimension_semantics = [], scalar_prefetch = 0 : i64, scratch_operands = 0 : i64, tpu.core_type = #tpu.core_type<tc>} {
    %get3A = arith.constant 0 : index
    %get3A_0 = arith.constant 0 : index
    %get3A_1 = vector.load %arg0[%get3A, %get3A_0] : memref<1024x64xf32, #tpu.memory_space<vmem>>, vector<1024x64xf32>
    %get3A_2 = arith.constant 0 : index
    %get3A_3 = arith.constant 0 : index
    %get3A_4 = vector.load %arg1[%get3A_2, %get3A_3] : memref<64x64xf32, #tpu.memory_space<vmem>>, vector<64x64xf32>
    %dot_general3A = arith.constant dense<0.000000e+00> : vector<1024x64xf32>
    %dot_general3A_5 = tpu.matmul %get3A_1, %get3A_4, %dot_general3A {dimension_numbers = #tpu.dot_dimension_numbers<[1], [0], [0], [1], [0, 0, 1, 1], [], []>, transpose_lhs_hint = false} : vector<1024x64xf32>, vector<64x64xf32>, vector<1024x64xf32> -> vector<1024x64xf32>
    %get3A_6 = arith.constant 0 : index
    %get3A_7 = vector.load %arg2[%get3A_6] : memref<64xf32, #tpu.memory_space<vmem>>, vector<64xf32>
    %broadcast_in_dim3A = vector.shape_cast %get3A_7 : vector<64xf32> to vector<1x64xf32>
    %add3A = vector.broadcast %broadcast_in_dim3A : vector<1x64xf32> to vector<1024x64xf32>
    %add3A_8 = arith.addf %dot_general3A_5, %add3A : vector<1024x64xf32>
    %max3A = arith.constant 0.000000e+00 : f32
    %max3A_9 = vector.broadcast %max3A : f32 to vector<1024x64xf32>
    %max3A_10 = arith.maximumf %add3A_8, %max3A_9 : vector<1024x64xf32>
    %get3A_11 = arith.constant 0 : index
    %get3A_12 = arith.constant 0 : index
    %get3A_13 = vector.load %arg3[%get3A_11, %get3A_12] : memref<64x64xf32, #tpu.memory_space<vmem>>, vector<64x64xf32>
    %dot_general3A_14 = arith.constant dense<0.000000e+00> : vector<1024x64xf32>
    %dot_general3A_15 = tpu.matmul %max3A_10, %get3A_13, %dot_general3A_14 {dimension_numbers = #tpu.dot_dimension_numbers<[1], [0], [0], [1], [0, 0, 1, 1], [], []>, transpose_lhs_hint = false} : vector<1024x64xf32>, vector<64x64xf32>, vector<1024x64xf32> -> vector<1024x64xf32>
    %get3A_16 = arith.constant 0 : index
    %get3A_17 = vector.load %arg4[%get3A_16] : memref<64xf32, #tpu.memory_space<vmem>>, vector<64xf32>
    %broadcast_in_dim3A_18 = vector.shape_cast %get3A_17 : vector<64xf32> to vector<1x64xf32>
    %add3A_19 = vector.broadcast %broadcast_in_dim3A_18 : vector<1x64xf32> to vector<1024x64xf32>
    %add3A_20 = arith.addf %dot_general3A_15, %add3A_19 : vector<1024x64xf32>
    %max3A_21 = arith.constant 0.000000e+00 : f32
    %max3A_22 = vector.broadcast %max3A_21 : f32 to vector<1024x64xf32>
    %max3A_23 = arith.maximumf %add3A_20, %max3A_22 : vector<1024x64xf32>
    %get3A_24 = arith.constant 0 : index
    %get3A_25 = arith.constant 0 : index
    %get3A_26 = vector.load %arg5[%get3A_24, %get3A_25] : memref<64x64xf32, #tpu.memory_space<vmem>>, vector<64x64xf32>
    %dot_general3A_27 = arith.constant dense<0.000000e+00> : vector<1024x64xf32>
    %dot_general3A_28 = tpu.matmul %max3A_23, %get3A_26, %dot_general3A_27 {dimension_numbers = #tpu.dot_dimension_numbers<[1], [0], [0], [1], [0, 0, 1, 1], [], []>, transpose_lhs_hint = false} : vector<1024x64xf32>, vector<64x64xf32>, vector<1024x64xf32> -> vector<1024x64xf32>
    %get3A_29 = arith.constant 0 : index
    %get3A_30 = vector.load %arg6[%get3A_29] : memref<64xf32, #tpu.memory_space<vmem>>, vector<64xf32>
    %broadcast_in_dim3A_31 = vector.shape_cast %get3A_30 : vector<64xf32> to vector<1x64xf32>
    %add3A_32 = vector.broadcast %broadcast_in_dim3A_31 : vector<1x64xf32> to vector<1024x64xf32>
    %add3A_33 = arith.addf %dot_general3A_28, %add3A_32 : vector<1024x64xf32>
    %max3A_34 = arith.constant 0.000000e+00 : f32
    %max3A_35 = vector.broadcast %max3A_34 : f32 to vector<1024x64xf32>
    %max3A_36 = arith.maximumf %add3A_33, %max3A_35 : vector<1024x64xf32>
    %get3A_37 = arith.constant 0 : index
    %get3A_38 = arith.constant 0 : index
    %get3A_39 = vector.load %arg7[%get3A_37, %get3A_38] : memref<64x64xf32, #tpu.memory_space<vmem>>, vector<64x64xf32>
    %dot_general3A_40 = arith.constant dense<0.000000e+00> : vector<1024x64xf32>
    %dot_general3A_41 = tpu.matmul %max3A_36, %get3A_39, %dot_general3A_40 {dimension_numbers = #tpu.dot_dimension_numbers<[1], [0], [0], [1], [0, 0, 1, 1], [], []>, transpose_lhs_hint = false} : vector<1024x64xf32>, vector<64x64xf32>, vector<1024x64xf32> -> vector<1024x64xf32>
    %get3A_42 = arith.constant 0 : index
    %get3A_43 = vector.load %arg8[%get3A_42] : memref<64xf32, #tpu.memory_space<vmem>>, vector<64xf32>
    %broadcast_in_dim3A_44 = vector.shape_cast %get3A_43 : vector<64xf32> to vector<1x64xf32>
    %add3A_45 = vector.broadcast %broadcast_in_dim3A_44 : vector<1x64xf32> to vector<1024x64xf32>
    %add3A_46 = arith.addf %dot_general3A_41, %add3A_45 : vector<1024x64xf32>
    %swap3A = arith.constant 0 : index
    %swap3A_47 = arith.constant 0 : index
    %swap3A_48 = vector.load %arg9[%swap3A, %swap3A_47] : memref<1024x64xf32, #tpu.memory_space<vmem>>, vector<1024x64xf32>
    tpu.vector_store %arg9[%swap3A, %swap3A_47], %add3A_46 {strides = array<i32>} : memref<1024x64xf32, #tpu.memory_space<vmem>>, vector<1024x64xf32>,
    return
  }
}

</mosaic_0001>

<sc_bundles>
// kernel: kernel.4.cloned.1.call-start
scs
__scs_entry_jumppad:
0x0: {  	(pc) =	sbr.rel $0x88, $3  }
0x1: {  	(tag) =	ssettag $0x0;
	lr =	simm.s32 $0x1  }
0x2: {  	[smem:$0x3F98] =	sst lr;
	_ =	strace $0xD0000000  }
0x3: {  	_ = 	snop  }
0x4: {  	_ = 	snop  }
0x5: {  	_ = 	snop  }
0x6: {  	_ = 	snop  }
0x7: {  	_ = 	snop  }
__scs_overlays_trampoline_lowered:
0x8: {  	[smem:$0x3FA7] =	sst s0  }
0x9: {  	[smem:$0x3FA8] =	sst s1  }
0xa: {  	[smem:$0x3FA9] =	sst s2  }
0xb: {  	[smem:$0x3FAA] =	sst s3  }
0xc: {  	[smem:$0x3FAB] =	sst s4  }
0xd: {  	[smem:$0x3FAC] =	sst s5  }
0xe: {  	[smem:$0x3FAD] =	sst s6  }
0xf: {  	[smem:$0x3FAE] =	sst s7  }
0x10: {  	[smem:$0x3FAF] =	sst s8  }
0x11: {  	[smem:$0x3FB0] =	sst s9;
	s0 =	simm.s32 @!p0 $0x0  }
0x12: {  	s1 =	sld [smem:$0x3F96];
	s0 =	simm.s32 @p0 $0x1  }
0x13: {  	[smem:$0x3FB1] =	sst s0;
	s0 =	simm.s32 @!p1 $0x0  }
0x14: {  	s2 =	sld [smem:$0x3F95];
	s0 =	simm.s32 @p1 $0x1  }
0x15: {  	[smem:$0x3FB2] =	sst s0;
	s0 =	simm.s32 @!p2 $0x0  }
0x16: {  	s3 =	sld [smem:$0x3FDB];
	s0 =	simm.s32 @p2 $0x1  }
0x17: {  	s4 =	simm.s32 $0x1BF5;
	[smem:$0x3FB4] =	sst s0  }
0x18: {  	s0 =	sld [smem:$0x3F97];
	_ =	swait.ge [sflag:s4], $0x0  }
0x19: {  	s7 =	sld [smem:$0x3F98]  }
0x1a: {  	s8 =	sadd.s32 $0xFFFFE003, lr  }
0x1b: {  	s9 =	sadd.s32 $0xFFFFFEF7, lr;
	s5 =	simm.s32 $0xFFFFFFFF;
	p2 =	slt.u32 s8, $0xFFFFF086  }
0x1c: {  	p1 =	slt.u32 s9, $0xF7A;
	s5 =	simm.s32 @!p2 $0x0  }
0x1d: {  	s5 =	simm.s32 @p1 $0x1;
	p0 =	seq.s32 s7, s2  }
0x1e: {  	s7 =	smul.u32 @!p0 $0xF7A, s2;
	p2 =	seq.s32 @!p0 s5, $0x0  }
0x1f: {  	s9 =	smul.u32 $0xF7A, s1;
	s8 =	simm.s32 @!p0 $0x1BF5;
	p2 =	por !p2, p0  }
0x20: {  	[sflag:s8] =	ssyncset.s32 @!p0 $0xFFFFF086;
	s6 =	sadd.s32 @!p0 s3, s7;
	s7 =	simm.s32 @!p0 $0x108  }
0x21: {  	s3 =	sadd.s32 s3, s9;
	s6 =	sadd.s32 @!p0 $0x88, s6;
	s7 =	simm.s32 @p2 $0x1082  }
0x22: {  	[simem:s7], [sflag:s8] =	dma.local @!p0 [hbm:s6], $0xF7A  }
0x23: {  	s9 =	sor.u32 $0xD0000000, s2;
	s6 =	simm.s32 $0x108;
	_ =	swait.ge @!p0 [sflag:s8], $0x0  }
0x24: {  	s3 =	sadd.s32 $0x88, s3;
	s6 =	simm.s32 @!p1 $0x1082;
	[sflag:s4] =	ssyncset.s32 $0xFFFFF086  }
0x25: {  	[simem:s6], [sflag:s4] =	dma.local [hbm:s3], $0xF7A  }
0x26: {  	[smem:$0x3F98] =	sst s1;
	(tag) =	ssettag s2;
	_ =	strace s9  }
0x27: {  	s1 =	sld [smem:$0x3FA8]  }
0x28: {  	s2 =	sld [smem:$0x3FA9]  }
0x29: {  	s4 =	sld [smem:$0x3FAB]  }
0x2a: {  	p0 =	seq.s32 s5, $0x0;
	s5 =	sld [smem:$0x3FAC]  }
0x2b: {  	s6 =	sld [smem:$0x3FAD]  }
0x2c: {  	s7 =	sld [smem:$0x3FAE]  }
0x2d: {  	s3 =	simm.s32 $0x108;
	s8 =	sld [smem:$0x3FAF]  }
0x2e: {  	s3 =	simm.s32 @!p0 $0x1082;
	s9 =	sld [smem:$0x3FB0]  }
0x2f: {  	lr =	sadd.s32 s0, s3;
	s0 =	sld [smem:$0x3FA7]  }
0x30: {  	s3 =	sld [smem:$0x3FAA]  }
0x31: {  	[smem:$0x3FB3] =	sst s10  }
0x32: {  	s10 =	sld [smem:$0x3FB1];
	_ =	sdelay $0x3  }
0x33: {  	p0 =	seq.s32 s10, $0x1;
	s10 =	sld [smem:$0x3FB3];
	_ =	sdelay $0x3  }
0x34: {  	[smem:$0x3FB3] =	sst s10  }
0x35: {  	s10 =	sld [smem:$0x3FB2];
	_ =	sdelay $0x3  }
0x36: {  	p1 =	seq.s32 s10, $0x1;
	s10 =	sld [smem:$0x3FB3];
	_ =	sdelay $0x3  }
0x37: {  	[smem:$0x3FB3] =	sst s10  }
0x38: {  	s10 =	sld [smem:$0x3FB4]  }
0x39: {  	_ = 	snop;
	(pc) =	sbr.ind lr, $3  }
0x3a: {  	_ = 	snop  }
0x3b: {  	_ = 	snop  }
0x3c: {  	p2 =	seq.s32 s10, $0x1;
	s10 =	sld [smem:$0x3FB3]  }
0x3d: {  	_ =	shalt  }
0x3e: {  	_ =	shalt  }
0x3f: {  	_ =	shalt  }
0x40: {  	_ =	shalt  }
0x41: {  	_ =	shalt  }
0x42: {  	_ =	shalt  }
0x43: {  	_ =	shalt  }
0x44: {  	_ =	shalt  }
0x45: {  	_ =	shalt  }
0x46: {  	_ =	shalt  }
0x47: {  	_ =	shalt  }
0x48: {  	_ =	shalt  }
0x49: {  	_ =	shalt  }
0x4a: {  	_ =	shalt  }
0x4b: {  	_ =	shalt  }
0x4c: {  	_ =	shalt  }
0x4d: {  	_ =	shalt  }
0x4e: {  	_ =	shalt  }
0x4f: {  	_ =	shalt  }
0x50: {  	_ =	shalt  }
0x51: {  	_ =	shalt  }
0x52: {  	_ =	shalt  }
0x53: {  	_ =	shalt  }
0x54: {  	_ =	shalt  }
0x55: {  	_ =	shalt  }
0x56: {  	_ =	shalt  }
0x57: {  	_ =	shalt  }
0x58: {  	_ =	shalt  }
0x59: {  	_ =	shalt  }
0x5a: {  	_ =	shalt  }
0x5b: {  	_ =	shalt  }
0x5c: {  	_ =	shalt  }
0x5d: {  	_ =	shalt  }
0x5e: {  	_ =	shalt  }
0x5f: {  	_ =	shalt  }
0x60: {  	_ =	shalt  }
0x61: {  	_ =	shalt  }
0x62: {  	_ =	shalt  }
0x63: {  	_ =	shalt  }
0x64: {  	_ =	shalt  }
0x65: {  	_ =	shalt  }
0x66: {  	_ =	shalt  }
0x67: {  	_ =	shalt  }
0x68: {  	_ =	shalt  }
0x69: {  	_ =	shalt  }
0x6a: {  	_ =	shalt  }
0x6b: {  	_ =	shalt  }
0x6c: {  	_ =	shalt  }
0x6d: {  	_ =	shalt  }
0x6e: {  	_ =	shalt  }
0x6f: {  	_ =	shalt  }
0x70: {  	_ =	shalt  }
0x71: {  	_ =	shalt  }
0x72: {  	_ =	shalt  }
0x73: {  	_ =	shalt  }
0x74: {  	_ =	shalt  }
0x75: {  	_ =	shalt  }
0x76: {  	_ =	shalt  }
0x77: {  	_ =	shalt  }
0x78: {  	_ =	shalt  }
0x79: {  	_ =	shalt  }
0x7a: {  	_ =	shalt  }
0x7b: {  	_ =	shalt  }
0x7c: {  	_ =	shalt  }
0x7d: {  	_ =	shalt  }
0x7e: {  	_ =	shalt  }
0x7f: {  	_ =	shalt  }
0x80: {  	_ =	shalt  }
0x81: {  	_ =	shalt  }
0x82: {  	_ =	shalt  }
0x83: {  	_ =	shalt  }
0x84: {  	_ =	shalt  }
0x85: {  	_ =	shalt  }
0x86: {  	_ =	shalt  }
0x87: {  	_ =	shalt  }
.Lfunc_end0:
.L_simem_size_0:
called_computation_lowered:
.L_overlay_start_0:
0x88: {  	s2 =	sld [smem:$0x3FD9]  }
0x89: {  	s3 =	sld [smem:$0x3FFE];
	_ =	sdelay $0x1  }
0x8a: {  	s1 =	srdreg.scid  }
0x8b: {  	s0 =	sand.u32 $0x1, s1  }
0x8c: {  	s16 =	sshll.u32 s0, $0xA;
	s2 =	sadd.s32 s3, s2  }
0x8d: {  	s2 =	sadd.s32 s2, s16  }
0x8e: {  	[smem:$0x3FBF] =	sst s2  }
0x8f: {  	_ = 	snop  }
0x90: {  	(tm) =	ssettm $0x1  }
0x91: {  	s17 =	sld [smem:$0x3FFB];
	_ =	sdelay $0x3  }
0x92: {  	_ =	strace s17  }
0x93: {  	s2 =	sld [smem:$0x3FFC];
	_ =	sdelay $0x3  }
0x94: {  	_ =	strace s2  }
0x95: {  	s2 =	sld [smem:$0x3FFD];
	_ =	sdelay $0x3  }
0x96: {  	_ =	strace s2  }
0x97: {  	_ =	strace $0x8FFFFFFF  }
0x98: {  	s18 =	sld [smem:$0x3FDB];
	_ =	sdelay $0x1  }
0x99: {  	s19 =	simm.s32 $_scs_section_size  }
0x9a: {  	s4 =	simm.s32 $_size__tile_overlayer_lowered;
	s5 =	simm.s32 $_tile_overlayer_lowered  }
0x9b: {  	s22 =	simm.s32 $0x1BFF;
	s21 =	sshll.u32 s5, $0x1;
	s2 =	sadd.s32 s19, s18  }
0x9c: {  	s6 =	simm.s32 $0x0;
	s20 =	sshll.u32 s4, $0x1;
	s4 =	sadd.s32 s21, s2  }
0x9d: {  	[timem:s6], [sflag:s22] =	dma.local [hbm:s4], s20  }
0x9e: {  	_ =	swait.ge [sflag:s22], s20  }
0x9f: {  	s3 =	ssub.s32 $0x0, s20;
	[sflag:s22] =	ssyncset.done $0x0  }
0xa0: {  	[sflag:s22] =	ssyncadd.s32 s3;
	_ =	sdelay $0x1  }
0xa1: {  	s23 =	simm.s32 $0x1B8B  }
0xa2: {  	_ =	swait.ge [sflag:s23], $0x1  }
0xa3: {  	[sflag:s23] =	ssyncset.done $0x0  }
0xa4: {  	s25 =	simm.s32 $0x1B8E;
	s24 =	sld [smem:$0x3FFE];
	[sflag:s23] =	ssyncadd.s32 $0xFFFFFFFF  }
0xa5: {  	s26 =	simm.s32 $execute0_lowered;
	[smem:$0x3FD2] =	sst s25  }
0xa6: {  	s4 =	sshll.u32 s26, $0x1;
	_ =	strace $0x80000046;
	[dreg:$0x1] =	wrdreg $0xFFFFFFFF  }
0xa7: {  	s28 =	simm.s32 $_size_execute0_lowered;
	s2 =	sadd.s32 s2, s4;
	[dreg:$0x0] =	wrdreg $0x0  }
0xa8: {  	s4 =	sshll.u32 s28, $0x1;
	[dreg:$0x2] =	wrdreg s2  }
0xa9: {  	[dreg:$0x3] =	wrdreg s4  }
0xaa: {  	[dreg:$0x4] =	wrdreg $0xC0  }
0xab: {  	_ =	task [dreg:s6], $0x5FFFF  }
0xac: {  	[dreg:$0x1] =	wrdreg $0xFFFFFFFF  }
0xad: {  	[dreg:$0x0] =	wrdreg $0x60  }
0xae: {  	[dreg:$0x2] =	wrdreg s24  }
0xaf: {  	[dreg:$0x3] =	wrdreg $0x9  }
0xb0: {  	_ =	task.clear_ibuf [dreg:s6], $0x4FFFF;
	_ =	strace $0x90000046  }
0xb1: {  	s29 =	simm.s32 $0x9;
	_ =	strace $0x80000048  }
0xb2: {  	_ =	swait.ge [sflag:s29], $0x1  }
0xb3: {  	[sflag:s29] =	ssyncadd.s32 $0xFFFFFFFF  }
0xb4: {  	_ =	strace $0x90000048  }
0xb5: {  	_ =	sfence  }
0xb6: {  	s30 =	sld [smem:$0x0];
	_ =	sdelay $0x2  }
0xb7: {  	s31 =	sshll.u32 s1, $0xD;
	s1 =	sshrl.u32 s1, $0x2  }
0xb8: {  	s3 =	sand.u32 $0x4000, s31;
	s1 =	sadd.s32 s1, s30  }
0xb9: {  	s0 =	sor.u32 s3, s0;
	s1 =	sshll.u32 s1, $0x11  }
0xba: {  	s0 =	sor.u32 s1, s0  }
0xbb: {  	s0 =	sadd.s32 $0x8F2B, s0  }
0xbc: {  	[sflag:s0] =	ssyncadd.remote.s32 $0x1  }
0xbd: {  	_ =	sfence.sel $0xFFFF  }
0xbe: {  	[dreg:$0x0] =	wrdreg $0xFFFFFFFF;
	(pc) =	sbr.abs _section_cstart, $3  }
0xbf: {  	[dreg:$0x1] =	wrdreg $0xFFFFFFFF  }
0xc0: {  	_ =	task.clear_ibuf [dreg:s6], $0x2FFFF;
	_ =	strace $0x9FFFFFFF  }
0xc1: {  	(tm) =	ssettm $0x7FFFFFFF  }
tec
execute0_lowered:
.L_overlay_start_1:
0x0: {  	(tag) =	ssettag $0x1  }
0x1: {  	s3 =	rddreg [dreg:$0x0]  }
0x2: {  	s0 =	rddreg [dreg:$0x1];
	s4 =	srdreg.scid  }
0x3: {  	s2 =	simm.s32 $0x0;
	s1 =	stileid.u32;
	s4 =	sand.u32 $0x1, s4  }
0x4: {  	[smem:$0x7FF] =	sst s2;
	s5 =	sshll.u32 s1, $0x6;
	s6 =	sshll.u32 s4, $0x5  }
0x5: {  	s8 =	simm.s32 $0x0;
	_ =	strace $0x80000047;
	s5 =	sor.u32 s6, s5  }
0x6: {  	s4 =	ssub.s32 $0x2, s4;
	s6 =	sshll.u32 s5, $0x8;
	s5 =	sshll.u32 s5, $0x4  }
0x7: {  	s7 =	sshrl.u32 s4, $0x1;
	s6 =	sadd.s32 s6, s3;
	s5 =	sadd.s32 s5, s3  }
0x8: {  	s7 =	ssub.s32 s4, s7;
	s3 =	sadd.s32 $0x1600, s6;
	s4 =	sadd.s32 $0x41600, s5  }
0x9: {  	s5 =	smax.u32 s7, $0x1;
	s6 =	simm.s32 $0x1;
	s7 =	simm.s32 $0x10000  }
.LBB2_1:
0xa: {  	[tilespmem:s2], [sflag:$0x1] =	stream.linear.gather [hbm4b:s3+s2], $0x10000, $0x38;
	[tilespmem:$0x11000] =	vst v63  }
0xb: {  	_ =	swait.ge [sflag:s6], $0x10000  }
0xc: {  	s9 =	sand.u32 $0xC000, s2;
	s10 =	sand.u32 $0x380, s2;
	[sflag:s6] =	ssyncset.done $0x0  }
0xd: {  	s10 =	sor.u32 s10, s9;
	[sflag:s6] =	ssyncadd.s32 $0xFFFF0000  }
0xe: {  	v0 =	vld [tilespmem:s10+$0x0]  }
0xf: {  	v1 =	vld [tilespmem:s10+$0x40];
	_ =	sdelay $0x1  }
0x10: {  	v2 =	vld [tilespmem:s10+$0x400];
	_ =	sdelay $0x1  }
0x11: {  	v3 =	vld [tilespmem:s10+$0x440]  }
0x12: {  	v0 =	vadd.f32 v1, v0  }
0x13: {  	v1 =	vld [tilespmem:s10+$0x800]  }
0x14: {  	v0 =	vadd.f32 v2, v0  }
0x15: {  	v2 =	vld [tilespmem:s10+$0x840]  }
0x16: {  	v0 =	vadd.f32 v3, v0  }
0x17: {  	v3 =	vld [tilespmem:s10+$0xC00]  }
0x18: {  	v0 =	vadd.f32 v1, v0  }
0x19: {  	v1 =	vld [tilespmem:s10+$0xC40]  }
0x1a: {  	v0 =	vadd.f32 v2, v0  }
0x1b: {  	v2 =	vld [tilespmem:s10+$0x1000]  }
0x1c: {  	v0 =	vadd.f32 v3, v0  }
0x1d: {  	v3 =	vld [tilespmem:s10+$0x1040]  }
0x1e: {  	v0 =	vadd.f32 v1, v0  }
0x1f: {  	v1 =	vld [tilespmem:s10+$0x1400]  }
0x20: {  	v0 =	vadd.f32 v2, v0  }
0x21: {  	v2 =	vld [tilespmem:s10+$0x1440]  }
0x22: {  	v0 =	vadd.f32 v3, v0  }
0x23: {  	v3 =	vld [tilespmem:s10+$0x1800]  }
0x24: {  	v0 =	vadd.f32 v1, v0  }
0x25: {  	v1 =	vld [tilespmem:s10+$0x1840]  }
0x26: {  	v0 =	vadd.f32 v2, v0  }
0x27: {  	v2 =	vld [tilespmem:s10+$0x1C00]  }
0x28: {  	v0 =	vadd.f32 v3, v0  }
0x29: {  	v3 =	vld [tilespmem:s10+$0x1C40]  }
0x2a: {  	v0 =	vadd.f32 v1, v0  }
0x2b: {  	v1 =	vld [tilespmem:s10+$0x2000]  }
0x2c: {  	v0 =	vadd.f32 v2, v0  }
0x2d: {  	v2 =	vld [tilespmem:s10+$0x2040]  }
0x2e: {  	v0 =	vadd.f32 v3, v0  }
0x2f: {  	v3 =	vld [tilespmem:s10+$0x2400]  }
0x30: {  	v0 =	vadd.f32 v1, v0  }
0x31: {  	v1 =	vld [tilespmem:s10+$0x2440]  }
0x32: {  	v0 =	vadd.f32 v2, v0  }
0x33: {  	v2 =	vld [tilespmem:s10+$0x2800]  }
0x34: {  	v0 =	vadd.f32 v3, v0  }
0x35: {  	v3 =	vld [tilespmem:s10+$0x2840]  }
0x36: {  	v0 =	vadd.f32 v1, v0  }
0x37: {  	v1 =	vld [tilespmem:s10+$0x2C00]  }
0x38: {  	v0 =	vadd.f32 v2, v0  }
0x39: {  	v2 =	vld [tilespmem:s10+$0x2C40]  }
0x3a: {  	v0 =	vadd.f32 v3, v0  }
0x3b: {  	v3 =	vld [tilespmem:s10+$0x3000]  }
0x3c: {  	v0 =	vadd.f32 v1, v0  }
0x3d: {  	v1 =	vld [tilespmem:s10+$0x3040]  }
0x3e: {  	v0 =	vadd.f32 v2, v0  }
0x3f: {  	s17 =	sand.u32 $0x7, s2;
	v2 =	vld [tilespmem:s10+$0x3400]  }
0x40: {  	s9 =	sshll.u32 s17, $0x7;
	v0 =	vadd.f32 v3, v0  }
0x41: {  	s11 =	sadd.s32 $0x0, s9;
	v3 =	vld [tilespmem:s10+$0x3440]  }
0x42: {  	s9 =	sor.u32 $0x3800, s11;
	v0 =	vadd.f32 v1, v0  }
0x43: {  	v1 =	vld [tilespmem:s9+$0x0]  }
0x44: {  	s18 =	sor.u32 $0x3840, s11;
	v0 =	vadd.f32 v2, v0  }
0x45: {  	v2 =	vld [tilespmem:s18+$0x0]  }
0x46: {  	s19 =	sor.u32 $0x3C00, s11;
	v0 =	vadd.f32 v3, v0  }
0x47: {  	v3 =	vld [tilespmem:s19+$0x0]  }
0x48: {  	s20 =	sor.u32 $0x3C40, s11;
	v0 =	vadd.f32 v1, v0  }
0x49: {  	v1 =	vld [tilespmem:s20+$0x0]  }
0x4a: {  	v0 =	vadd.f32 v2, v0;
	_ =	sdelay $0x1  }
0x4b: {  	v0 =	vadd.f32 v3, v0;
	_ =	sdelay $0x1  }
0x4c: {  	v0 =	vadd.f32 v1, v0;
	_ =	sdelay $0x1  }
0x4d: {  	v0 =	vmul.f32 $3.125000000e-02, v0  }
0x4e: {  	s9 =	simm.s32 $0x10020  }
0x4f: {  	[tilespmem:s9+$0xFFFFFFE0] =	vst v0  }
0x50: {  	v0 =	vld [tilespmem:s10+$0x10]  }
0x51: {  	v1 =	vld [tilespmem:s10+$0x50];
	_ =	sdelay $0x1  }
0x52: {  	v2 =	vld [tilespmem:s10+$0x410];
	_ =	sdelay $0x1  }
0x53: {  	v3 =	vld [tilespmem:s10+$0x450]  }
0x54: {  	v0 =	vadd.f32 v1, v0  }
0x55: {  	v1 =	vld [tilespmem:s10+$0x810]  }
0x56: {  	v0 =	vadd.f32 v2, v0  }
0x57: {  	v2 =	vld [tilespmem:s10+$0x850]  }
0x58: {  	v0 =	vadd.f32 v3, v0  }
0x59: {  	v3 =	vld [tilespmem:s10+$0xC10]  }
0x5a: {  	v0 =	vadd.f32 v1, v0  }
0x5b: {  	v1 =	vld [tilespmem:s10+$0xC50]  }
0x5c: {  	v0 =	vadd.f32 v2, v0  }
0x5d: {  	v2 =	vld [tilespmem:s10+$0x1010]  }
0x5e: {  	v0 =	vadd.f32 v3, v0  }
0x5f: {  	v3 =	vld [tilespmem:s10+$0x1050]  }
0x60: {  	v0 =	vadd.f32 v1, v0  }
0x61: {  	v1 =	vld [tilespmem:s10+$0x1410]  }
0x62: {  	v0 =	vadd.f32 v2, v0  }
0x63: {  	v2 =	vld [tilespmem:s10+$0x1450]  }
0x64: {  	v0 =	vadd.f32 v3, v0  }
0x65: {  	v3 =	vld [tilespmem:s10+$0x1810]  }
0x66: {  	v0 =	vadd.f32 v1, v0  }
0x67: {  	v1 =	vld [tilespmem:s10+$0x1850]  }
0x68: {  	v0 =	vadd.f32 v2, v0  }
0x69: {  	v2 =	vld [tilespmem:s10+$0x1C10]  }
0x6a: {  	v0 =	vadd.f32 v3, v0  }
0x6b: {  	v3 =	vld [tilespmem:s10+$0x1C50]  }
0x6c: {  	v0 =	vadd.f32 v1, v0  }
0x6d: {  	v1 =	vld [tilespmem:s10+$0x2010]  }
0x6e: {  	v0 =	vadd.f32 v2, v0  }
0x6f: {  	v2 =	vld [tilespmem:s10+$0x2050]  }
0x70: {  	v0 =	vadd.f32 v3, v0  }
0x71: {  	v3 =	vld [tilespmem:s10+$0x2410]  }
0x72: {  	v0 =	vadd.f32 v1, v0  }
0x73: {  	v1 =	vld [tilespmem:s10+$0x2450]  }
0x74: {  	v0 =	vadd.f32 v2, v0  }
0x75: {  	v2 =	vld [tilespmem:s10+$0x2810]  }
0x76: {  	v0 =	vadd.f32 v3, v0  }
0x77: {  	v3 =	vld [tilespmem:s10+$0x2850]  }
0x78: {  	v0 =	vadd.f32 v1, v0  }
0x79: {  	v1 =	vld [tilespmem:s10+$0x2C10]  }
0x7a: {  	v0 =	vadd.f32 v2, v0  }
0x7b: {  	v2 =	vld [tilespmem:s10+$0x2C50]  }
0x7c: {  	v0 =	vadd.f32 v3, v0  }
0x7d: {  	v3 =	vld [tilespmem:s10+$0x3010]  }
0x7e: {  	v0 =	vadd.f32 v1, v0  }
0x7f: {  	v1 =	vld [tilespmem:s10+$0x3050]  }
0x80: {  	v0 =	vadd.f32 v2, v0  }
0x81: {  	v2 =	vld [tilespmem:s10+$0x3410]  }
0x82: {  	v0 =	vadd.f32 v3, v0  }
0x83: {  	v3 =	vld [tilespmem:s10+$0x3450]  }
0x84: {  	s12 =	sor.u32 $0x3810, s11;
	v0 =	vadd.f32 v1, v0  }
0x85: {  	v1 =	vld [tilespmem:s12+$0x0]  }
0x86: {  	s21 =	sor.u32 $0x3850, s11;
	v0 =	vadd.f32 v2, v0  }
0x87: {  	v2 =	vld [tilespmem:s21+$0x0]  }
0x88: {  	s22 =	sor.u32 $0x3C10, s11;
	v0 =	vadd.f32 v3, v0  }
0x89: {  	v3 =	vld [tilespmem:s22+$0x0]  }
0x8a: {  	s23 =	sor.u32 $0x3C50, s11;
	v0 =	vadd.f32 v1, v0  }
0x8b: {  	v1 =	vld [tilespmem:s23+$0x0]  }
0x8c: {  	v0 =	vadd.f32 v2, v0;
	_ =	sdelay $0x1  }
0x8d: {  	v0 =	vadd.f32 v3, v0;
	_ =	sdelay $0x1  }
0x8e: {  	v0 =	vadd.f32 v1, v0;
	_ =	sdelay $0x1  }
0x8f: {  	v0 =	vmul.f32 $3.125000000e-02, v0;
	_ =	sdelay $0x1  }
0x90: {  	[tilespmem:s9+$0xFFFFFFF0] =	vst v0  }
0x91: {  	v0 =	vld [tilespmem:s10+$0x20]  }
0x92: {  	v1 =	vld [tilespmem:s10+$0x60];
	_ =	sdelay $0x1  }
0x93: {  	v2 =	vld [tilespmem:s10+$0x420];
	_ =	sdelay $0x1  }
0x94: {  	v3 =	vld [tilespmem:s10+$0x460]  }
0x95: {  	v0 =	vadd.f32 v1, v0  }
0x96: {  	v1 =	vld [tilespmem:s10+$0x820]  }
0x97: {  	v0 =	vadd.f32 v2, v0  }
0x98: {  	v2 =	vld [tilespmem:s10+$0x860]  }
0x99: {  	v0 =	vadd.f32 v3, v0  }
0x9a: {  	v3 =	vld [tilespmem:s10+$0xC20]  }
0x9b: {  	v0 =	vadd.f32 v1, v0  }
0x9c: {  	v1 =	vld [tilespmem:s10+$0xC60]  }
0x9d: {  	v0 =	vadd.f32 v2, v0  }
0x9e: {  	v2 =	vld [tilespmem:s10+$0x1020]  }
0x9f: {  	v0 =	vadd.f32 v3, v0  }
0xa0: {  	v3 =	vld [tilespmem:s10+$0x1060]  }
0xa1: {  	v0 =	vadd.f32 v1, v0  }
0xa2: {  	v1 =	vld [tilespmem:s10+$0x1420]  }
0xa3: {  	v0 =	vadd.f32 v2, v0  }
0xa4: {  	v2 =	vld [tilespmem:s10+$0x1460]  }
0xa5: {  	v0 =	vadd.f32 v3, v0  }
0xa6: {  	v3 =	vld [tilespmem:s10+$0x1820]  }
0xa7: {  	v0 =	vadd.f32 v1, v0  }
0xa8: {  	v1 =	vld [tilespmem:s10+$0x1860]  }
0xa9: {  	v0 =	vadd.f32 v2, v0  }
0xaa: {  	v2 =	vld [tilespmem:s10+$0x1C20]  }
0xab: {  	v0 =	vadd.f32 v3, v0  }
0xac: {  	v3 =	vld [tilespmem:s10+$0x1C60]  }
0xad: {  	v0 =	vadd.f32 v1, v0  }
0xae: {  	v1 =	vld [tilespmem:s10+$0x2020]  }
0xaf: {  	v0 =	vadd.f32 v2, v0  }
0xb0: {  	v2 =	vld [tilespmem:s10+$0x2060]  }
0xb1: {  	v0 =	vadd.f32 v3, v0  }
0xb2: {  	v3 =	vld [tilespmem:s10+$0x2420]  }
0xb3: {  	v0 =	vadd.f32 v1, v0  }
0xb4: {  	v1 =	vld [tilespmem:s10+$0x2460]  }
0xb5: {  	v0 =	vadd.f32 v2, v0  }
0xb6: {  	v2 =	vld [tilespmem:s10+$0x2820]  }
0xb7: {  	v0 =	vadd.f32 v3, v0  }
0xb8: {  	v3 =	vld [tilespmem:s10+$0x2860]  }
0xb9: {  	v0 =	vadd.f32 v1, v0  }
0xba: {  	v1 =	vld [tilespmem:s10+$0x2C20]  }
0xbb: {  	v0 =	vadd.f32 v2, v0  }
0xbc: {  	v2 =	vld [tilespmem:s10+$0x2C60]  }
0xbd: {  	v0 =	vadd.f32 v3, v0  }
0xbe: {  	v3 =	vld [tilespmem:s10+$0x3020]  }
0xbf: {  	v0 =	vadd.f32 v1, v0  }
0xc0: {  	v1 =	vld [tilespmem:s10+$0x3060]  }
0xc1: {  	v0 =	vadd.f32 v2, v0  }
0xc2: {  	v2 =	vld [tilespmem:s10+$0x3420]  }
0xc3: {  	v0 =	vadd.f32 v3, v0  }
0xc4: {  	v3 =	vld [tilespmem:s10+$0x3460]  }
0xc5: {  	s24 =	sor.u32 $0x3820, s11;
	v0 =	vadd.f32 v1, v0  }
0xc6: {  	v1 =	vld [tilespmem:s24+$0x0]  }
0xc7: {  	s25 =	sor.u32 $0x3860, s11;
	v0 =	vadd.f32 v2, v0  }
0xc8: {  	v2 =	vld [tilespmem:s25+$0x0]  }
0xc9: {  	s26 =	sor.u32 $0x3C20, s11;
	v0 =	vadd.f32 v3, v0  }
0xca: {  	v3 =	vld [tilespmem:s26+$0x0]  }
0xcb: {  	s28 =	sor.u32 $0x3C60, s11;
	v0 =	vadd.f32 v1, v0  }
0xcc: {  	v1 =	vld [tilespmem:s28+$0x0]  }
0xcd: {  	v0 =	vadd.f32 v2, v0;
	_ =	sdelay $0x1  }
0xce: {  	v0 =	vadd.f32 v3, v0;
	_ =	sdelay $0x1  }
0xcf: {  	v0 =	vadd.f32 v1, v0;
	_ =	sdelay $0x1  }
0xd0: {  	v0 =	vmul.f32 $3.125000000e-02, v0;
	_ =	sdelay $0x1  }
0xd1: {  	[tilespmem:s9+$0x0] =	vst v0  }
0xd2: {  	v0 =	vld [tilespmem:s10+$0x30]  }
0xd3: {  	v1 =	vld [tilespmem:s10+$0x70];
	_ =	sdelay $0x1  }
0xd4: {  	v2 =	vld [tilespmem:s10+$0x430];
	_ =	sdelay $0x1  }
0xd5: {  	v3 =	vld [tilespmem:s10+$0x470]  }
0xd6: {  	v0 =	vadd.f32 v1, v0  }
0xd7: {  	v1 =	vld [tilespmem:s10+$0x830]  }
0xd8: {  	v0 =	vadd.f32 v2, v0  }
0xd9: {  	v2 =	vld [tilespmem:s10+$0x870]  }
0xda: {  	v0 =	vadd.f32 v3, v0  }
0xdb: {  	v3 =	vld [tilespmem:s10+$0xC30]  }
0xdc: {  	v0 =	vadd.f32 v1, v0  }
0xdd: {  	v1 =	vld [tilespmem:s10+$0xC70]  }
0xde: {  	v0 =	vadd.f32 v2, v0  }
0xdf: {  	v2 =	vld [tilespmem:s10+$0x1030]  }
0xe0: {  	v0 =	vadd.f32 v3, v0  }
0xe1: {  	v3 =	vld [tilespmem:s10+$0x1070]  }
0xe2: {  	v0 =	vadd.f32 v1, v0  }
0xe3: {  	v1 =	vld [tilespmem:s10+$0x1430]  }
0xe4: {  	v0 =	vadd.f32 v2, v0  }
0xe5: {  	v2 =	vld [tilespmem:s10+$0x1470]  }
0xe6: {  	v0 =	vadd.f32 v3, v0  }
0xe7: {  	v3 =	vld [tilespmem:s10+$0x1830]  }
0xe8: {  	v0 =	vadd.f32 v1, v0  }
0xe9: {  	v1 =	vld [tilespmem:s10+$0x1870]  }
0xea: {  	v0 =	vadd.f32 v2, v0  }
0xeb: {  	v2 =	vld [tilespmem:s10+$0x1C30]  }
0xec: {  	v0 =	vadd.f32 v3, v0  }
0xed: {  	v3 =	vld [tilespmem:s10+$0x1C70]  }
0xee: {  	v0 =	vadd.f32 v1, v0  }
0xef: {  	v1 =	vld [tilespmem:s10+$0x2030]  }
0xf0: {  	v0 =	vadd.f32 v2, v0  }
0xf1: {  	v2 =	vld [tilespmem:s10+$0x2070]  }
0xf2: {  	v0 =	vadd.f32 v3, v0  }
0xf3: {  	v3 =	vld [tilespmem:s10+$0x2430]  }
0xf4: {  	v0 =	vadd.f32 v1, v0  }
0xf5: {  	v1 =	vld [tilespmem:s10+$0x2470]  }
0xf6: {  	v0 =	vadd.f32 v2, v0  }
0xf7: {  	v2 =	vld [tilespmem:s10+$0x2830]  }
0xf8: {  	v0 =	vadd.f32 v3, v0  }
0xf9: {  	v3 =	vld [tilespmem:s10+$0x2870]  }
0xfa: {  	v0 =	vadd.f32 v1, v0  }
0xfb: {  	v1 =	vld [tilespmem:s10+$0x2C30]  }
0xfc: {  	v0 =	vadd.f32 v2, v0  }
0xfd: {  	v2 =	vld [tilespmem:s10+$0x2C70]  }
0xfe: {  	v0 =	vadd.f32 v3, v0  }
0xff: {  	v3 =	vld [tilespmem:s10+$0x3030]  }
0x100: {  	v0 =	vadd.f32 v1, v0  }
0x101: {  	v1 =	vld [tilespmem:s10+$0x3070]  }
0x102: {  	v0 =	vadd.f32 v2, v0  }
0x103: {  	v2 =	vld [tilespmem:s10+$0x3430]  }
0x104: {  	v0 =	vadd.f32 v3, v0  }
0x105: {  	v3 =	vld [tilespmem:s10+$0x3470]  }
0x106: {  	s29 =	sor.u32 $0x3830, s11;
	v0 =	vadd.f32 v1, v0  }
0x107: {  	v1 =	vld [tilespmem:s29+$0x0]  }
0x108: {  	s30 =	sor.u32 $0x3870, s11;
	v0 =	vadd.f32 v2, v0  }
0x109: {  	v2 =	vld [tilespmem:s30+$0x0]  }
0x10a: {  	v0 =	vadd.f32 v3, v0  }
0x10b: {  	s31 =	sor.u32 $0x3C30, s11  }
0x10c: {  	v3 =	vld [tilespmem:s31+$0x0];
	v0 =	vadd.f32 v1, v0  }
0x10d: {  	s11 =	sor.u32 $0x3C70, s11  }
0x10e: {  	v1 =	vadd.f32 v2, v0;
	v0 =	vld [tilespmem:s11+$0x0];
	_ =	sdelay $0x1  }
0x10f: {  	s13 =	simm.s32 $0x0  }
0x110: {  	s12 =	simm.s32 $0x0;
	s10 =	simm.s32 $0x800;
	s11 =	simm.s32 $0x10020;
	v1 =	vadd.f32 v3, v1  }
.LBB2_2:
0x111: {  	s12 =	sadd.s32 $0x1, s12;
	s13 =	sadd.s32 $0x80, s13;
	s9 =	sadd.s32 $0x80, s9  }
0x112: {  	p0 =	sne.s32 s10, $0xF800;
	s15 =	smov.u32 s10;
	s10 =	sadd.s32 $0x800, s10;
	v0 =	vadd.f32 v0, v1  }
0x113: {  	_ = 	snop  }
0x114: {  	s14 =	sand.u32 $0xC000, s15;
	s16 =	sand.u32 $0x380, s13;
	v0 =	vmul.f32 $3.125000000e-02, v0  }
0x115: {  	s14 =	sor.u32 s16, s14  }
0x116: {  	[tilespmem:s11+$0x10] =	vst v0;
	s11 =	smov.u32 s9  }
0x117: {  	v0 =	vld [tilespmem:s14+$0x0]  }
0x118: {  	v1 =	vld [tilespmem:s14+$0x40];
	_ =	sdelay $0x1  }
0x119: {  	v2 =	vld [tilespmem:s14+$0x400];
	_ =	sdelay $0x1  }
0x11a: {  	v3 =	vld [tilespmem:s14+$0x440]  }
0x11b: {  	v0 =	vadd.f32 v1, v0  }
0x11c: {  	v1 =	vld [tilespmem:s14+$0x800]  }
0x11d: {  	v0 =	vadd.f32 v2, v0  }
0x11e: {  	v2 =	vld [tilespmem:s14+$0x840]  }
0x11f: {  	v0 =	vadd.f32 v3, v0  }
0x120: {  	v3 =	vld [tilespmem:s14+$0xC00]  }
0x121: {  	v0 =	vadd.f32 v1, v0  }
0x122: {  	v1 =	vld [tilespmem:s14+$0xC40]  }
0x123: {  	v0 =	vadd.f32 v2, v0  }
0x124: {  	v2 =	vld [tilespmem:s14+$0x1000]  }
0x125: {  	v0 =	vadd.f32 v3, v0  }
0x126: {  	v3 =	vld [tilespmem:s14+$0x1040]  }
0x127: {  	v0 =	vadd.f32 v1, v0  }
0x128: {  	v1 =	vld [tilespmem:s14+$0x1400]  }
0x129: {  	v0 =	vadd.f32 v2, v0  }
0x12a: {  	v2 =	vld [tilespmem:s14+$0x1440]  }
0x12b: {  	v0 =	vadd.f32 v3, v0  }
0x12c: {  	v3 =	vld [tilespmem:s14+$0x1800]  }
0x12d: {  	v0 =	vadd.f32 v1, v0  }
0x12e: {  	v1 =	vld [tilespmem:s14+$0x1840]  }
0x12f: {  	v0 =	vadd.f32 v2, v0  }
0x130: {  	v2 =	vld [tilespmem:s14+$0x1C00]  }
0x131: {  	v0 =	vadd.f32 v3, v0  }
0x132: {  	v3 =	vld [tilespmem:s14+$0x1C40]  }
0x133: {  	v0 =	vadd.f32 v1, v0  }
0x134: {  	v1 =	vld [tilespmem:s14+$0x2000]  }
0x135: {  	v0 =	vadd.f32 v2, v0  }
0x136: {  	v2 =	vld [tilespmem:s14+$0x2040]  }
0x137: {  	v0 =	vadd.f32 v3, v0  }
0x138: {  	v3 =	vld [tilespmem:s14+$0x2400]  }
0x139: {  	v0 =	vadd.f32 v1, v0  }
0x13a: {  	v1 =	vld [tilespmem:s14+$0x2440]  }
0x13b: {  	v0 =	vadd.f32 v2, v0  }
0x13c: {  	v2 =	vld [tilespmem:s14+$0x2800]  }
0x13d: {  	v0 =	vadd.f32 v3, v0  }
0x13e: {  	v3 =	vld [tilespmem:s14+$0x2840]  }
0x13f: {  	v0 =	vadd.f32 v1, v0  }
0x140: {  	v1 =	vld [tilespmem:s14+$0x2C00]  }
0x141: {  	v0 =	vadd.f32 v2, v0  }
0x142: {  	v2 =	vld [tilespmem:s14+$0x2C40]  }
0x143: {  	v0 =	vadd.f32 v3, v0  }
0x144: {  	v3 =	vld [tilespmem:s14+$0x3000]  }
0x145: {  	v0 =	vadd.f32 v1, v0  }
0x146: {  	v1 =	vld [tilespmem:s14+$0x3040]  }
0x147: {  	v0 =	vadd.f32 v2, v0  }
0x148: {  	s16 =	sand.u32 $0x7, s12;
	v2 =	vld [tilespmem:s14+$0x3400]  }
0x149: {  	s16 =	sshll.u32 s16, $0x7;
	v0 =	vadd.f32 v3, v0  }
0x14a: {  	s15 =	sadd.s32 s16, s15;
	v3 =	vld [tilespmem:s14+$0x3440]  }
0x14b: {  	s16 =	sor.u32 $0x3800, s15;
	s17 =	sor.u32 $0x3C40, s15;
	v0 =	vadd.f32 v1, v0  }
0x14c: {  	v1 =	vld [tilespmem:s16+$0x0]  }
0x14d: {  	s16 =	sor.u32 $0x3840, s15;
	v0 =	vadd.f32 v2, v0  }
0x14e: {  	v2 =	vld [tilespmem:s16+$0x0]  }
0x14f: {  	s16 =	sor.u32 $0x3C00, s15;
	v0 =	vadd.f32 v3, v0  }
0x150: {  	v3 =	vld [tilespmem:s16+$0x0]  }
0x151: {  	v0 =	vadd.f32 v1, v0  }
0x152: {  	v1 =	vld [tilespmem:s17+$0x0]  }
0x153: {  	v0 =	vadd.f32 v2, v0;
	_ =	sdelay $0x1  }
0x154: {  	v0 =	vadd.f32 v3, v0;
	_ =	sdelay $0x1  }
0x155: {  	v0 =	vadd.f32 v1, v0;
	_ =	sdelay $0x1  }
0x156: {  	v0 =	vmul.f32 $3.125000000e-02, v0;
	_ =	sdelay $0x1  }
0x157: {  	[tilespmem:s9+$0xFFFFFFE0] =	vst v0  }
0x158: {  	v0 =	vld [tilespmem:s14+$0x10]  }
0x159: {  	v1 =	vld [tilespmem:s14+$0x50];
	_ =	sdelay $0x1  }
0x15a: {  	v2 =	vld [tilespmem:s14+$0x410];
	_ =	sdelay $0x1  }
0x15b: {  	v3 =	vld [tilespmem:s14+$0x450]  }
0x15c: {  	v0 =	vadd.f32 v1, v0  }
0x15d: {  	v1 =	vld [tilespmem:s14+$0x810]  }
0x15e: {  	v0 =	vadd.f32 v2, v0  }
0x15f: {  	v2 =	vld [tilespmem:s14+$0x850]  }
0x160: {  	v0 =	vadd.f32 v3, v0  }
0x161: {  	v3 =	vld [tilespmem:s14+$0xC10]  }
0x162: {  	v0 =	vadd.f32 v1, v0  }
0x163: {  	v1 =	vld [tilespmem:s14+$0xC50]  }
0x164: {  	v0 =	vadd.f32 v2, v0  }
0x165: {  	v2 =	vld [tilespmem:s14+$0x1010]  }
0x166: {  	v0 =	vadd.f32 v3, v0  }
0x167: {  	v3 =	vld [tilespmem:s14+$0x1050]  }
0x168: {  	v0 =	vadd.f32 v1, v0  }
0x169: {  	v1 =	vld [tilespmem:s14+$0x1410]  }
0x16a: {  	v0 =	vadd.f32 v2, v0  }
0x16b: {  	v2 =	vld [tilespmem:s14+$0x1450]  }
0x16c: {  	v0 =	vadd.f32 v3, v0  }
0x16d: {  	v3 =	vld [tilespmem:s14+$0x1810]  }
0x16e: {  	v0 =	vadd.f32 v1, v0  }
0x16f: {  	v1 =	vld [tilespmem:s14+$0x1850]  }
0x170: {  	v0 =	vadd.f32 v2, v0  }
0x171: {  	v2 =	vld [tilespmem:s14+$0x1C10]  }
0x172: {  	v0 =	vadd.f32 v3, v0  }
0x173: {  	v3 =	vld [tilespmem:s14+$0x1C50]  }
0x174: {  	v0 =	vadd.f32 v1, v0  }
0x175: {  	v1 =	vld [tilespmem:s14+$0x2010]  }
0x176: {  	v0 =	vadd.f32 v2, v0  }
0x177: {  	v2 =	vld [tilespmem:s14+$0x2050]  }
0x178: {  	v0 =	vadd.f32 v3, v0  }
0x179: {  	v3 =	vld [tilespmem:s14+$0x2410]  }
0x17a: {  	v0 =	vadd.f32 v1, v0  }
0x17b: {  	v1 =	vld [tilespmem:s14+$0x2450]  }
0x17c: {  	v0 =	vadd.f32 v2, v0  }
0x17d: {  	v2 =	vld [tilespmem:s14+$0x2810]  }
0x17e: {  	v0 =	vadd.f32 v3, v0  }
0x17f: {  	v3 =	vld [tilespmem:s14+$0x2850]  }
0x180: {  	v0 =	vadd.f32 v1, v0  }
0x181: {  	v1 =	vld [tilespmem:s14+$0x2C10]  }
0x182: {  	v0 =	vadd.f32 v2, v0  }
0x183: {  	v2 =	vld [tilespmem:s14+$0x2C50]  }
0x184: {  	v0 =	vadd.f32 v3, v0  }
0x185: {  	v3 =	vld [tilespmem:s14+$0x3010]  }
0x186: {  	v0 =	vadd.f32 v1, v0  }
0x187: {  	v1 =	vld [tilespmem:s14+$0x3050]  }
0x188: {  	v0 =	vadd.f32 v2, v0  }
0x189: {  	v2 =	vld [tilespmem:s14+$0x3410]  }
0x18a: {  	v0 =	vadd.f32 v3, v0  }
0x18b: {  	v3 =	vld [tilespmem:s14+$0x3450]  }
0x18c: {  	s16 =	sor.u32 $0x3810, s15;
	v0 =	vadd.f32 v1, v0  }
0x18d: {  	v1 =	vld [tilespmem:s16+$0x0]  }
0x18e: {  	s16 =	sor.u32 $0x3850, s15;
	v0 =	vadd.f32 v2, v0  }
0x18f: {  	v2 =	vld [tilespmem:s16+$0x0]  }
0x190: {  	s16 =	sor.u32 $0x3C10, s15;
	v0 =	vadd.f32 v3, v0  }
0x191: {  	v3 =	vld [tilespmem:s16+$0x0]  }
0x192: {  	s16 =	sor.u32 $0x3C50, s15;
	v0 =	vadd.f32 v1, v0  }
0x193: {  	v1 =	vld [tilespmem:s16+$0x0]  }
0x194: {  	v0 =	vadd.f32 v2, v0;
	_ =	sdelay $0x1  }
0x195: {  	v0 =	vadd.f32 v3, v0;
	_ =	sdelay $0x1  }
0x196: {  	v0 =	vadd.f32 v1, v0;
	_ =	sdelay $0x1  }
0x197: {  	v0 =	vmul.f32 $3.125000000e-02, v0;
	_ =	sdelay $0x1  }
0x198: {  	[tilespmem:s9+$0xFFFFFFF0] =	vst v0  }
0x199: {  	v0 =	vld [tilespmem:s14+$0x20]  }
0x19a: {  	v1 =	vld [tilespmem:s14+$0x60];
	_ =	sdelay $0x1  }
0x19b: {  	v2 =	vld [tilespmem:s14+$0x420];
	_ =	sdelay $0x1  }
0x19c: {  	v3 =	vld [tilespmem:s14+$0x460]  }
0x19d: {  	v0 =	vadd.f32 v1, v0  }
0x19e: {  	v1 =	vld [tilespmem:s14+$0x820]  }
0x19f: {  	v0 =	vadd.f32 v2, v0  }
0x1a0: {  	v2 =	vld [tilespmem:s14+$0x860]  }
0x1a1: {  	v0 =	vadd.f32 v3, v0  }
0x1a2: {  	v3 =	vld [tilespmem:s14+$0xC20]  }
0x1a3: {  	v0 =	vadd.f32 v1, v0  }
0x1a4: {  	v1 =	vld [tilespmem:s14+$0xC60]  }
0x1a5: {  	v0 =	vadd.f32 v2, v0  }
0x1a6: {  	v2 =	vld [tilespmem:s14+$0x1020]  }
0x1a7: {  	v0 =	vadd.f32 v3, v0  }
0x1a8: {  	v3 =	vld [tilespmem:s14+$0x1060]  }
0x1a9: {  	v0 =	vadd.f32 v1, v0  }
0x1aa: {  	v1 =	vld [tilespmem:s14+$0x1420]  }
0x1ab: {  	v0 =	vadd.f32 v2, v0  }
0x1ac: {  	v2 =	vld [tilespmem:s14+$0x1460]  }
0x1ad: {  	v0 =	vadd.f32 v3, v0  }
0x1ae: {  	v3 =	vld [tilespmem:s14+$0x1820]  }
0x1af: {  	v0 =	vadd.f32 v1, v0  }
0x1b0: {  	v1 =	vld [tilespmem:s14+$0x1860]  }
0x1b1: {  	v0 =	vadd.f32 v2, v0  }
0x1b2: {  	v2 =	vld [tilespmem:s14+$0x1C20]  }
0x1b3: {  	v0 =	vadd.f32 v3, v0  }
0x1b4: {  	v3 =	vld [tilespmem:s14+$0x1C60]  }
0x1b5: {  	v0 =	vadd.f32 v1, v0  }
0x1b6: {  	v1 =	vld [tilespmem:s14+$0x2020]  }
0x1b7: {  	v0 =	vadd.f32 v2, v0  }
0x1b8: {  	v2 =	vld [tilespmem:s14+$0x2060]  }
0x1b9: {  	v0 =	vadd.f32 v3, v0  }
0x1ba: {  	v3 =	vld [tilespmem:s14+$0x2420]  }
0x1bb: {  	v0 =	vadd.f32 v1, v0  }
0x1bc: {  	v1 =	vld [tilespmem:s14+$0x2460]  }
0x1bd: {  	v0 =	vadd.f32 v2, v0  }
0x1be: {  	v2 =	vld [tilespmem:s14+$0x2820]  }
0x1bf: {  	v0 =	vadd.f32 v3, v0  }
0x1c0: {  	v3 =	vld [tilespmem:s14+$0x2860]  }
0x1c1: {  	v0 =	vadd.f32 v1, v0  }
0x1c2: {  	v1 =	vld [tilespmem:s14+$0x2C20]  }
0x1c3: {  	v0 =	vadd.f32 v2, v0  }
0x1c4: {  	v2 =	vld [tilespmem:s14+$0x2C60]  }
0x1c5: {  	v0 =	vadd.f32 v3, v0  }
0x1c6: {  	v3 =	vld [tilespmem:s14+$0x3020]  }
0x1c7: {  	v0 =	vadd.f32 v1, v0  }
0x1c8: {  	v1 =	vld [tilespmem:s14+$0x3060]  }
0x1c9: {  	v0 =	vadd.f32 v2, v0  }
0x1ca: {  	v2 =	vld [tilespmem:s14+$0x3420]  }
0x1cb: {  	v0 =	vadd.f32 v3, v0  }
0x1cc: {  	v3 =	vld [tilespmem:s14+$0x3460]  }
0x1cd: {  	s16 =	sor.u32 $0x3820, s15;
	v0 =	vadd.f32 v1, v0  }
0x1ce: {  	v1 =	vld [tilespmem:s16+$0x0]  }
0x1cf: {  	s16 =	sor.u32 $0x3860, s15;
	v0 =	vadd.f32 v2, v0  }
0x1d0: {  	v2 =	vld [tilespmem:s16+$0x0]  }
0x1d1: {  	s16 =	sor.u32 $0x3C20, s15;
	v0 =	vadd.f32 v3, v0  }
0x1d2: {  	v3 =	vld [tilespmem:s16+$0x0]  }
0x1d3: {  	s16 =	sor.u32 $0x3C60, s15;
	v0 =	vadd.f32 v1, v0  }
0x1d4: {  	v1 =	vld [tilespmem:s16+$0x0]  }
0x1d5: {  	v0 =	vadd.f32 v2, v0;
	_ =	sdelay $0x1  }
0x1d6: {  	v0 =	vadd.f32 v3, v0;
	_ =	sdelay $0x1  }
0x1d7: {  	v0 =	vadd.f32 v1, v0;
	_ =	sdelay $0x1  }
0x1d8: {  	v0 =	vmul.f32 $3.125000000e-02, v0;
	_ =	sdelay $0x1  }
0x1d9: {  	[tilespmem:s9+$0x0] =	vst v0  }
0x1da: {  	v0 =	vld [tilespmem:s14+$0x30]  }
0x1db: {  	v1 =	vld [tilespmem:s14+$0x70]  }
0x1dc: {  	v2 =	vld [tilespmem:s14+$0x430]  }
0x1dd: {  	v3 =	vld [tilespmem:s14+$0x470]  }
0x1de: {  	v4 =	vld [tilespmem:s14+$0x830]  }
0x1df: {  	v5 =	vld [tilespmem:s14+$0x870]  }
0x1e0: {  	v0 =	vadd.f32 v1, v0;
	v1 =	vld [tilespmem:s14+$0xC30]  }
0x1e1: {  	v6 =	vld [tilespmem:s14+$0xC70]  }
0x1e2: {  	v0 =	vadd.f32 v2, v0;
	v2 =	vld [tilespmem:s14+$0x1030]  }
0x1e3: {  	v7 =	vld [tilespmem:s14+$0x1070]  }
0x1e4: {  	v0 =	vadd.f32 v3, v0;
	v3 =	vld [tilespmem:s14+$0x1430]  }
0x1e5: {  	v8 =	vld [tilespmem:s14+$0x1470]  }
0x1e6: {  	v0 =	vadd.f32 v4, v0;
	v4 =	vld [tilespmem:s14+$0x1830]  }
0x1e7: {  	v9 =	vld [tilespmem:s14+$0x1870]  }
0x1e8: {  	v0 =	vadd.f32 v5, v0;
	v5 =	vld [tilespmem:s14+$0x1C30]  }
0x1e9: {  	v10 =	vld [tilespmem:s14+$0x1C70]  }
0x1ea: {  	v0 =	vadd.f32 v1, v0;
	v1 =	vld [tilespmem:s14+$0x2030]  }
0x1eb: {  	v11 =	vld [tilespmem:s14+$0x2070]  }
0x1ec: {  	v0 =	vadd.f32 v6, v0;
	v6 =	vld [tilespmem:s14+$0x2430]  }
0x1ed: {  	v12 =	vld [tilespmem:s14+$0x2470]  }
0x1ee: {  	v0 =	vadd.f32 v2, v0;
	v2 =	vld [tilespmem:s14+$0x2830]  }
0x1ef: {  	v13 =	vld [tilespmem:s14+$0x2870]  }
0x1f0: {  	v0 =	vadd.f32 v7, v0;
	v7 =	vld [tilespmem:s14+$0x2C30]  }
0x1f1: {  	v14 =	vld [tilespmem:s14+$0x2C70]  }
0x1f2: {  	v0 =	vadd.f32 v3, v0;
	v3 =	vld [tilespmem:s14+$0x3030]  }
0x1f3: {  	v15 =	vld [tilespmem:s14+$0x3070]  }
0x1f4: {  	v0 =	vadd.f32 v8, v0;
	v8 =	vld [tilespmem:s14+$0x3430]  }
0x1f5: {  	v16 =	vld [tilespmem:s14+$0x3470];
	s14 =	sor.u32 $0x3830, s15  }
0x1f6: {  	v0 =	vadd.f32 v4, v0;
	v4 =	vld [tilespmem:s14+$0x0];
	s14 =	sor.u32 $0x3870, s15  }
0x1f7: {  	v17 =	vld [tilespmem:s14+$0x0];
	s14 =	sor.u32 $0x3C30, s15  }
0x1f8: {  	v9 =	vadd.f32 v9, v0;
	v18 =	vld [tilespmem:s14+$0x0];
	s14 =	sor.u32 $0x3C70, s15  }
0x1f9: {  	v0 =	vld [tilespmem:s14+$0x0]  }
0x1fa: {  	v5 =	vadd.f32 v5, v9;
	_ =	sdelay $0x1  }
0x1fb: {  	v5 =	vadd.f32 v10, v5;
	_ =	sdelay $0x1  }
0x1fc: {  	v1 =	vadd.f32 v1, v5;
	_ =	sdelay $0x1  }
0x1fd: {  	v1 =	vadd.f32 v11, v1;
	_ =	sdelay $0x1  }
0x1fe: {  	v1 =	vadd.f32 v6, v1;
	_ =	sdelay $0x1  }
0x1ff: {  	v1 =	vadd.f32 v12, v1;
	_ =	sdelay $0x1  }
0x200: {  	v1 =	vadd.f32 v2, v1;
	_ =	sdelay $0x1  }
0x201: {  	v1 =	vadd.f32 v13, v1;
	_ =	sdelay $0x1  }
0x202: {  	v1 =	vadd.f32 v7, v1;
	_ =	sdelay $0x1  }
0x203: {  	v1 =	vadd.f32 v14, v1;
	_ =	sdelay $0x1  }
0x204: {  	v1 =	vadd.f32 v3, v1;
	_ =	sdelay $0x1  }
0x205: {  	v1 =	vadd.f32 v15, v1;
	_ =	sdelay $0x1  }
0x206: {  	v1 =	vadd.f32 v8, v1;
	_ =	sdelay $0x1  }
0x207: {  	v1 =	vadd.f32 v16, v1;
	_ =	sdelay $0x1  }
.Ltmp0:
0x208: {  	v1 =	vadd.f32 v4, v1;
	(pc) =	sbr.rel @p0 .LBB2_2-.Ltmp0, $3  }
0x209: {  	_ = 	snop  }
0x20a: {  	v1 =	vadd.f32 v17, v1;
	_ =	sdelay $0x1  }
0x20b: {  	v1 =	vadd.f32 v18, v1  }
0x20c: {  	_ = 	snop  }
0x20d: {  	v0 =	vadd.f32 v0, v1;
	_ =	sdelay $0x1  }
0x20e: {  	s8 =	sadd.s32 $0x1, s8;
	v0 =	vmul.f32 $3.125000000e-02, v0  }
0x20f: {  	p0 =	sne.s32 s8, s5  }
.Ltmp1:
0x210: {  	[tilespmem:s11+$0x10] =	vst v0;
	(pc) =	sbr.rel @p0 .LBB2_1-.Ltmp1, $4  }
0x211: {  	[hbm4b:s4+s2] =	stream.linear.scatter [tilespmem:s7], [sflag:$0x1], $0x1000, $0x38;
	[tilespmem:$0x11000] =	vst v63  }
0x212: {  	_ =	swait.ge [sflag:s6], $0x1000  }
0x213: {  	[sflag:s6] =	ssyncset.done $0x0  }
0x214: {  	[sflag:s6] =	ssyncadd.s32 $0xFFFFF000  }
0x215: {  	_ =	sfence.sel $0x180000  }
0x216: {  	[bflag:$0x0] =	sbarrier.arrive $0xFFFF  }
0x217: {  	p0 =	sne.s32 s1, $0x0;
	_ =	strace $0x90000047  }
0x218: {  	s0 =	sadd.s32 @!p0 $0x100000, s0;
	[bflag:$0x2] =	sbarrier.arrive $0xFFFF  }
0x219: {  	[sflag:s0] =	ssyncadd.tile.s32 @!p0 $0x1;
	_ =	shalt  }
.Lfunc_end2:
_tile_overlayer_lowered:
.L_overlay_start_2:
0x21a: {  	(tag) =	ssettag $0x2  }
0x21b: {  	s0 =	rddreg [dreg:$0x0];
	s2 =	stileid.u32  }
0x21c: {  	s1 =	rddreg [dreg:$0x1];
	p0 =	sne.s32 s2, $0x0  }
0x21d: {  	s3 =	rddreg [dreg:$0x2];
	[bflag:$0x3] =	sbarrier.arrive $0xFFFF;
	s2 =	simm.s32 @!p0 $0x1C01  }
0x21e: {  	[timem:s3], [sflag:s2] =	dma.local @!p0 [hbm:s0], s1  }
0x21f: {  	s0 =	simm.s32 @!p0 $0x1  }
0x220: {  	_ =	swait.ge @!p0 [sflag:s0], s1  }
0x221: {  	s1 =	ssub.s32 @!p0 $0x0, s1;
	[sflag:s0] =	ssyncset.done @!p0 $0x0  }
0x222: {  	[sflag:s0] =	ssyncadd.s32 @!p0 s1  }
0x223: {  	[bflag:$0x3] =	sbarrier.arrive $0xFFFF  }
0x224: {  	_ =	shalt  }

</sc_bundles>
